<compile_context>
chip_gen: v7x
topology: tpu7x:2x2x1
jax: 0.10.2.dev20260603
libtpu: 0.0.44.dev20260713+nightly
codegen_flags: <defaults>
</compile_context>

<pallas_src>
import functools

import jax
import jax.numpy as jnp
from jax import lax
from jax.experimental import pallas as pl
from jax.experimental.pallas import tpu as pltpu
from jax.experimental.pallas import tpu_sc as plsc

B = 16384
D = 128
NC = 2
NS = 16
NW = NC * NS
B_PER_W = B // NW
CHUNK = 128
N_CHUNKS = B_PER_W // CHUNK
N_JOBS = 3 * N_CHUNKS
GPS = 1
N_SJ = N_JOBS // GPS
NB = 6
N_REL = 1000
REL_PER_TILE = 64


def _gather3_body(emb_hbm, kgg_hbm, rel_hbm, scg_i_hbm, rel_i_hbm,
                  kgg_i_hbm, scg_out, kgg_out, rel_out,
                  idx_v, stage_v, rel_sh, *rest):
    rows = rest[:NB]
    isem = rest[NB]
    stsem = rest[NB + 1]
    gsems = rest[NB + 2:2 * NB + 2]
    ssems = rest[2 * NB + 2:]
    cid = lax.axis_index("c")
    sid = lax.axis_index("s")
    wid = sid * NC + cid
    base = wid * B_PER_W
    tables = (
        (emb_hbm, scg_i_hbm, scg_out),
        (kgg_hbm, kgg_i_hbm, kgg_out),
        (rel_sh, rel_i_hbm, rel_out),
    )
    jobs = []
    for t, (tab, ids2d, out) in enumerate(tables):
        for j in range(N_CHUNKS):
            jobs.append((tab, out, base + j * CHUNK, t * N_CHUNKS + j))

    stage_off = jnp.minimum(sid * REL_PER_TILE, N_REL - REL_PER_TILE)
    stage_in = pltpu.async_copy(
        rel_hbm.at[pl.ds(stage_off, REL_PER_TILE)], stage_v, stsem)
    idx_copies = []
    for t, (tab, ids2d, out) in enumerate(tables):
        idx_copies.append(pltpu.async_copy(
            ids2d.at[pl.ds(wid * N_CHUNKS, N_CHUNKS)],
            idx_v.at[pl.ds(t * N_CHUNKS, N_CHUNKS)], isem))
    for c in idx_copies:
        c.wait()

    gather_copies = [None] * N_JOBS
    store_copies = [None] * N_SJ

    def fire_gathers(sj):
        b = sj % NB
        for g in range(GPS):
            i = sj * GPS + g
            tab, out, off, irow = jobs[i]
            gather_copies[i] = pltpu.async_copy(
                tab.at[idx_v.at[irow]], rows[b].at[pl.ds(g * CHUNK, CHUNK)],
                gsems[b])

    def fire_store(sj):
        b = sj % NB
        tab, out, off, irow = jobs[sj * GPS]
        for g in range(GPS):
            gather_copies[sj * GPS + g].wait()
        store_copies[sj] = pltpu.async_copy(
            rows[b], out.at[pl.ds(off, GPS * CHUNK)], ssems[b])

    for sj in range(NB):
        fire_gathers(sj)

    stage_in.wait()
    pltpu.async_copy(
        stage_v, rel_sh.at[pl.ds(stage_off, REL_PER_TILE)],
        stsem).wait()

    for sj in range(NB):
        fire_store(sj)
    rel_sj_start = 2 * N_CHUNKS // GPS
    for sj in range(NB, N_SJ):
        store_copies[sj - NB].wait()
        if sj == rel_sj_start:
            plsc.subcore_barrier()
        fire_gathers(sj)
    for sj in range(NB, N_SJ):
        fire_store(sj)
    for sj in range(N_SJ - NB, N_SJ):
        store_copies[sj].wait()


@jax.jit
def _gather3(embedding, kgg_table, rel_table, scg_ids, relation_ids, kgg_ids):
    mesh = plsc.VectorSubcoreMesh(core_axis_name="c", subcore_axis_name="s")
    f = functools.partial(
        pl.kernel,
        mesh=mesh,
        out_type=(
            jax.ShapeDtypeStruct((B, D), jnp.float32),
            jax.ShapeDtypeStruct((B, D), jnp.float32),
            jax.ShapeDtypeStruct((B, D), jnp.float32),
        ),
        scratch_types=(
            [pltpu.VMEM((N_JOBS, CHUNK), jnp.int32),
             pltpu.VMEM((REL_PER_TILE, D), jnp.float32),
             pltpu.VMEM_SHARED((N_REL, D), jnp.float32)]
            + [pltpu.VMEM((GPS * CHUNK, D), jnp.float32) for _ in range(NB)]
            + [pltpu.SemaphoreType.DMA for _ in range(2 * NB + 2)]
        ),
    )(_gather3_body)
    return f(embedding, kgg_table, rel_table,
             scg_ids.reshape(B // CHUNK, CHUNK),
             relation_ids.reshape(B // CHUNK, CHUNK),
             kgg_ids.reshape(B // CHUNK, CHUNK))


def kernel(embedding, kgg_table, rel_table, scg_ids, relation_ids, kgg_ids):
    scg_ids = scg_ids.astype(jnp.int32)
    relation_ids = relation_ids.astype(jnp.int32)
    kgg_ids = kgg_ids.astype(jnp.int32)
    return _gather3(embedding, kgg_table, rel_table,
                    scg_ids, relation_ids, kgg_ids)

# --- scband reference (transcript-rebuilt; emitter-appended) ---
"""Pipeline reference for scband-e2-emodel-23063974379584 (READ-ONLY COPY).

The authoritative reference and input builder live on the scoring server;
editing this copy changes nothing except your own understanding.
"""

import jax, jax.numpy as jnp
import numpy as np

N_SCG = 100000
N_KGG = 100000
N_REL = 1000
D = 128
B = 16384

def setup_inputs(seed: int = 0) -> dict:
    key = jax.random.key(seed)
    k1, k2, k3, k4, k5, k6 = jax.random.split(key, 6)
    embedding = jax.random.normal(k1, (N_SCG, D), dtype=jnp.float32)
    kgg_table = jax.random.normal(k2, (N_KGG, D), dtype=jnp.float32)
    rel_table = jax.random.normal(k3, (N_REL, D), dtype=jnp.float32)
    scg_ids = jax.random.randint(k4, (B,), 0, N_SCG, dtype=jnp.int64 if jax.config.jax_enable_x64 else jnp.int32)
    relation_ids = jax.random.randint(k5, (B,), 0, N_REL, dtype=jnp.int64 if jax.config.jax_enable_x64 else jnp.int32)
    kgg_ids = jax.random.randint(k6, (B,), 0, N_KGG, dtype=jnp.int64 if jax.config.jax_enable_x64 else jnp.int32)
    return {
        "embedding": embedding,
        "kgg_table": kgg_table,
        "rel_table": rel_table,
        "scg_ids": scg_ids,
        "relation_ids": relation_ids,
        "kgg_ids": kgg_ids,
    }

def reference(embedding, kgg_table, rel_table, scg_ids, relation_ids, kgg_ids):
    # scg_embedding = embedding[scg_ids] (the torch code does a python-loop fancy index; same as gather)
    scg_embedding = jnp.take(embedding, scg_ids, axis=0)
    # KGEmodel forward: lookup entity (kgg) and relation embeddings from learned tables
    kgg_embedding = jnp.take(kgg_table, kgg_ids, axis=0)
    relation_embedding = jnp.take(rel_table, relation_ids, axis=0)
    return (scg_embedding, kgg_embedding, relation_embedding)

if __name__ == "__main__":
    import jax
    _d = setup_inputs()
    print(jax.jit(kernel)(*tuple(_d.values())))

</pallas_src>

<mosaic_0001>
#map = affine_map<(d0, d1) -> (0, 0)>
module attributes {stable_mosaic.version = 14 : i64} {
  func.func @_gather3_body(%arg0: i32, %arg1: i32, %arg2: memref<100000x128xf32, #tpu.memory_space<hbm>>, %arg3: memref<100000x128xf32, #tpu.memory_space<hbm>>, %arg4: memref<1000x128xf32, #tpu.memory_space<hbm>>, %arg5: memref<128x128xi32, #tpu.memory_space<hbm>>, %arg6: memref<128x128xi32, #tpu.memory_space<hbm>>, %arg7: memref<128x128xi32, #tpu.memory_space<hbm>>, %arg8: memref<16384x128xf32, #tpu.memory_space<hbm>>, %arg9: memref<16384x128xf32, #tpu.memory_space<hbm>>, %arg10: memref<16384x128xf32, #tpu.memory_space<hbm>>, %arg11: memref<12x128xi32, #tpu.memory_space<vmem>>, %arg12: memref<64x128xf32, #tpu.memory_space<vmem>>, %arg13: memref<1000x128xf32, #tpu.memory_space<vmem_shared>>, %arg14: memref<128x128xf32, #tpu.memory_space<vmem>>, %arg15: memref<128x128xf32, #tpu.memory_space<vmem>>, %arg16: memref<128x128xf32, #tpu.memory_space<vmem>>, %arg17: memref<128x128xf32, #tpu.memory_space<vmem>>, %arg18: memref<128x128xf32, #tpu.memory_space<vmem>>, %arg19: memref<128x128xf32, #tpu.memory_space<vmem>>, %arg20: memref<!tpu.dma_semaphore, #tpu.memory_space<semaphore_mem>>, %arg21: memref<!tpu.dma_semaphore, #tpu.memory_space<semaphore_mem>>, %arg22: memref<!tpu.dma_semaphore, #tpu.memory_space<semaphore_mem>>, %arg23: memref<!tpu.dma_semaphore, #tpu.memory_space<semaphore_mem>>, %arg24: memref<!tpu.dma_semaphore, #tpu.memory_space<semaphore_mem>>, %arg25: memref<!tpu.dma_semaphore, #tpu.memory_space<semaphore_mem>>, %arg26: memref<!tpu.dma_semaphore, #tpu.memory_space<semaphore_mem>>, %arg27: memref<!tpu.dma_semaphore, #tpu.memory_space<semaphore_mem>>, %arg28: memref<!tpu.dma_semaphore, #tpu.memory_space<semaphore_mem>>, %arg29: memref<!tpu.dma_semaphore, #tpu.memory_space<semaphore_mem>>, %arg30: memref<!tpu.dma_semaphore, #tpu.memory_space<semaphore_mem>>, %arg31: memref<!tpu.dma_semaphore, #tpu.memory_space<semaphore_mem>>, %arg32: memref<!tpu.dma_semaphore, #tpu.memory_space<semaphore_mem>>, %arg33: memref<!tpu.dma_semaphore, #tpu.memory_space<semaphore_mem>>) attributes {dimension_semantics = [#tpu.dimension_semantics<core_parallel>, #tpu.dimension_semantics<subcore_parallel>], iteration_bounds = array<i64: 2, 16>, scalar_prefetch = 0 : i64, scratch_operands = 23 : i64, tpu.core_type = #tpu.core_type<sc_vector_subcore>, window_params = [{transform_indices = #map}, {transform_indices = #map}, {transform_indices = #map}, {transform_indices = #map}, {transform_indices = #map}, {transform_indices = #map}, {transform_indices = #map}, {transform_indices = #map}, {transform_indices = #map}]} {
    %mul3A = arith.constant 2 : i32
    %mul3A_0 = arith.muli %arg1, %mul3A : i32
    %add3A = arith.addi %mul3A_0, %arg0 : i32
    %mul3A_1 = arith.constant 512 : i32
    %mul3A_2 = arith.muli %add3A, %mul3A_1 : i32
    %add3A_3 = arith.constant 0 : i32
    %add3A_4 = arith.addi %mul3A_2, %add3A_3 : i32
    %add3A_5 = arith.constant 128 : i32
    %add3A_6 = arith.addi %mul3A_2, %add3A_5 : i32
    %add3A_7 = arith.constant 256 : i32
    %add3A_8 = arith.addi %mul3A_2, %add3A_7 : i32
    %add3A_9 = arith.constant 384 : i32
    %add3A_10 = arith.addi %mul3A_2, %add3A_9 : i32
    %add3A_11 = arith.constant 0 : i32
    %add3A_12 = arith.addi %mul3A_2, %add3A_11 : i32
    %add3A_13 = arith.constant 128 : i32
    %add3A_14 = arith.addi %mul3A_2, %add3A_13 : i32
    %add3A_15 = arith.constant 256 : i32
    %add3A_16 = arith.addi %mul3A_2, %add3A_15 : i32
    %add3A_17 = arith.constant 384 : i32
    %add3A_18 = arith.addi %mul3A_2, %add3A_17 : i32
    %add3A_19 = arith.constant 0 : i32
    %add3A_20 = arith.addi %mul3A_2, %add3A_19 : i32
    %add3A_21 = arith.constant 128 : i32
    %add3A_22 = arith.addi %mul3A_2, %add3A_21 : i32
    %add3A_23 = arith.constant 256 : i32
    %add3A_24 = arith.addi %mul3A_2, %add3A_23 : i32
    %add3A_25 = arith.constant 384 : i32
    %add3A_26 = arith.addi %mul3A_2, %add3A_25 : i32
    %mul3A_27 = arith.constant 64 : i32
    %mul3A_28 = arith.muli %arg1, %mul3A_27 : i32
    %min3A = arith.constant 936 : i32
    %min3A_29 = arith.minsi %mul3A_28, %min3A : i32
    %dma_start3A = arith.constant 0 : i32
    %dma_start3A_30 = tpu.memref_slice %arg4[%min3A_29, %dma_start3A] : memref<1000x128xf32, #tpu.memory_space<hbm>> -> memref<64x128xf32, #tpu.memory_space<hbm>>
    %dma_start3A_31 = arith.constant 0 : i32
    %dma_start3A_32 = tpu.memref_slice %arg4[%min3A_29, %dma_start3A_31] : memref<1000x128xf32, #tpu.memory_space<hbm>> -> memref<64x128xf32, #tpu.memory_space<hbm>>
    tpu.enqueue_dma source(%dma_start3A_32 : memref<64x128xf32, #tpu.memory_space<hbm>>) target(%arg12 : memref<64x128xf32, #tpu.memory_space<vmem>>) target_semaphore(%arg21 : memref<!tpu.dma_semaphore, #tpu.memory_space<semaphore_mem>>)
    %mul3A_33 = arith.constant 4 : i32
    %mul3A_34 = arith.muli %add3A, %mul3A_33 : i32
    %dma_start3A_35 = arith.constant 0 : i32
    %dma_start3A_36 = arith.constant 0 : i32
    %dma_start3A_37 = tpu.memref_slice %arg11[%dma_start3A_35, %dma_start3A_36] : memref<12x128xi32, #tpu.memory_space<vmem>> -> memref<4x128xi32, #tpu.memory_space<vmem>>
    %dma_start3A_38 = arith.constant 0 : i32
    %dma_start3A_39 = tpu.memref_slice %arg5[%mul3A_34, %dma_start3A_38] : memref<128x128xi32, #tpu.memory_space<hbm>> -> memref<4x128xi32, #tpu.memory_space<hbm>>
    %dma_start3A_40 = arith.constant 0 : i32
    %dma_start3A_41 = arith.constant 0 : i32
    %dma_start3A_42 = tpu.memref_slice %arg11[%dma_start3A_40, %dma_start3A_41] : memref<12x128xi32, #tpu.memory_space<vmem>> -> memref<4x128xi32, #tpu.memory_space<vmem>>
    %dma_start3A_43 = arith.constant 0 : i32
    %dma_start3A_44 = tpu.memref_slice %arg5[%mul3A_34, %dma_start3A_43] : memref<128x128xi32, #tpu.memory_space<hbm>> -> memref<4x128xi32, #tpu.memory_space<hbm>>
    tpu.enqueue_dma source(%dma_start3A_44 : memref<4x128xi32, #tpu.memory_space<hbm>>) target(%dma_start3A_42 : memref<4x128xi32, #tpu.memory_space<vmem>>) target_semaphore(%arg20 : memref<!tpu.dma_semaphore, #tpu.memory_space<semaphore_mem>>)
    %mul3A_45 = arith.constant 4 : i32
    %mul3A_46 = arith.muli %add3A, %mul3A_45 : i32
    %dma_start3A_47 = arith.constant 4 : i32
    %dma_start3A_48 = arith.constant 0 : i32
    %dma_start3A_49 = tpu.memref_slice %arg11[%dma_start3A_47, %dma_start3A_48] : memref<12x128xi32, #tpu.memory_space<vmem>> -> memref<4x128xi32, #tpu.memory_space<vmem>>
    %dma_start3A_50 = arith.constant 0 : i32
    %dma_start3A_51 = tpu.memref_slice %arg7[%mul3A_46, %dma_start3A_50] : memref<128x128xi32, #tpu.memory_space<hbm>> -> memref<4x128xi32, #tpu.memory_space<hbm>>
    %dma_start3A_52 = arith.constant 4 : i32
    %dma_start3A_53 = arith.constant 0 : i32
    %dma_start3A_54 = tpu.memref_slice %arg11[%dma_start3A_52, %dma_start3A_53] : memref<12x128xi32, #tpu.memory_space<vmem>> -> memref<4x128xi32, #tpu.memory_space<vmem>>
    %dma_start3A_55 = arith.constant 0 : i32
    %dma_start3A_56 = tpu.memref_slice %arg7[%mul3A_46, %dma_start3A_55] : memref<128x128xi32, #tpu.memory_space<hbm>> -> memref<4x128xi32, #tpu.memory_space<hbm>>
    tpu.enqueue_dma source(%dma_start3A_56 : memref<4x128xi32, #tpu.memory_space<hbm>>) target(%dma_start3A_54 : memref<4x128xi32, #tpu.memory_space<vmem>>) target_semaphore(%arg20 : memref<!tpu.dma_semaphore, #tpu.memory_space<semaphore_mem>>)
    %mul3A_57 = arith.constant 4 : i32
    %mul3A_58 = arith.muli %add3A, %mul3A_57 : i32
    %dma_start3A_59 = arith.constant 8 : i32
    %dma_start3A_60 = arith.constant 0 : i32
    %dma_start3A_61 = tpu.memref_slice %arg11[%dma_start3A_59, %dma_start3A_60] : memref<12x128xi32, #tpu.memory_space<vmem>> -> memref<4x128xi32, #tpu.memory_space<vmem>>
    %dma_start3A_62 = arith.constant 0 : i32
    %dma_start3A_63 = tpu.memref_slice %arg6[%mul3A_58, %dma_start3A_62] : memref<128x128xi32, #tpu.memory_space<hbm>> -> memref<4x128xi32, #tpu.memory_space<hbm>>
    %dma_start3A_64 = arith.constant 8 : i32
    %dma_start3A_65 = arith.constant 0 : i32
    %dma_start3A_66 = tpu.memref_slice %arg11[%dma_start3A_64, %dma_start3A_65] : memref<12x128xi32, #tpu.memory_space<vmem>> -> memref<4x128xi32, #tpu.memory_space<vmem>>
    %dma_start3A_67 = arith.constant 0 : i32
    %dma_start3A_68 = tpu.memref_slice %arg6[%mul3A_58, %dma_start3A_67] : memref<128x128xi32, #tpu.memory_space<hbm>> -> memref<4x128xi32, #tpu.memory_space<hbm>>
    tpu.enqueue_dma source(%dma_start3A_68 : memref<4x128xi32, #tpu.memory_space<hbm>>) target(%dma_start3A_66 : memref<4x128xi32, #tpu.memory_space<vmem>>) target_semaphore(%arg20 : memref<!tpu.dma_semaphore, #tpu.memory_space<semaphore_mem>>)
    %dma_wait3A = arith.constant 0 : i32
    %dma_wait3A_69 = arith.constant 0 : i32
    %dma_wait3A_70 = tpu.memref_slice %arg11[%dma_wait3A, %dma_wait3A_69] : memref<12x128xi32, #tpu.memory_space<vmem>> -> memref<4x128xi32, #tpu.memory_space<vmem>>
    %dma_wait3A_71 = arith.constant 0 : i32
    %dma_wait3A_72 = tpu.memref_slice %arg5[%mul3A_34, %dma_wait3A_71] : memref<128x128xi32, #tpu.memory_space<hbm>> -> memref<4x128xi32, #tpu.memory_space<hbm>>
    %dma_wait3A_73 = arith.constant 0 : i32
    %dma_wait3A_74 = arith.constant 0 : i32
    %dma_wait3A_75 = tpu.memref_slice %arg11[%dma_wait3A_73, %dma_wait3A_74] : memref<12x128xi32, #tpu.memory_space<vmem>> -> memref<4x128xi32, #tpu.memory_space<vmem>>
    %dma_wait3A_76 = arith.constant 0 : i32
    %dma_wait3A_77 = tpu.memref_slice %arg5[%mul3A_34, %dma_wait3A_76] : memref<128x128xi32, #tpu.memory_space<hbm>> -> memref<4x128xi32, #tpu.memory_space<hbm>>
    tpu.wait_dma2 semaphore(%arg20 : memref<!tpu.dma_semaphore, #tpu.memory_space<semaphore_mem>>) src(%dma_wait3A_77 : memref<4x128xi32, #tpu.memory_space<hbm>>) dst(%dma_wait3A_75 : memref<4x128xi32, #tpu.memory_space<vmem>>)
    %dma_wait3A_78 = arith.constant 4 : i32
    %dma_wait3A_79 = arith.constant 0 : i32
    %dma_wait3A_80 = tpu.memref_slice %arg11[%dma_wait3A_78, %dma_wait3A_79] : memref<12x128xi32, #tpu.memory_space<vmem>> -> memref<4x128xi32, #tpu.memory_space<vmem>>
    %dma_wait3A_81 = arith.constant 0 : i32
    %dma_wait3A_82 = tpu.memref_slice %arg7[%mul3A_46, %dma_wait3A_81] : memref<128x128xi32, #tpu.memory_space<hbm>> -> memref<4x128xi32, #tpu.memory_space<hbm>>
    %dma_wait3A_83 = arith.constant 4 : i32
    %dma_wait3A_84 = arith.constant 0 : i32
    %dma_wait3A_85 = tpu.memref_slice %arg11[%dma_wait3A_83, %dma_wait3A_84] : memref<12x128xi32, #tpu.memory_space<vmem>> -> memref<4x128xi32, #tpu.memory_space<vmem>>
    %dma_wait3A_86 = arith.constant 0 : i32
    %dma_wait3A_87 = tpu.memref_slice %arg7[%mul3A_46, %dma_wait3A_86] : memref<128x128xi32, #tpu.memory_space<hbm>> -> memref<4x128xi32, #tpu.memory_space<hbm>>
    tpu.wait_dma2 semaphore(%arg20 : memref<!tpu.dma_semaphore, #tpu.memory_space<semaphore_mem>>) src(%dma_wait3A_87 : memref<4x128xi32, #tpu.memory_space<hbm>>) dst(%dma_wait3A_85 : memref<4x128xi32, #tpu.memory_space<vmem>>)
    %dma_wait3A_88 = arith.constant 8 : i32
    %dma_wait3A_89 = arith.constant 0 : i32
    %dma_wait3A_90 = tpu.memref_slice %arg11[%dma_wait3A_88, %dma_wait3A_89] : memref<12x128xi32, #tpu.memory_space<vmem>> -> memref<4x128xi32, #tpu.memory_space<vmem>>
    %dma_wait3A_91 = arith.constant 0 : i32
    %dma_wait3A_92 = tpu.memref_slice %arg6[%mul3A_58, %dma_wait3A_91] : memref<128x128xi32, #tpu.memory_space<hbm>> -> memref<4x128xi32, #tpu.memory_space<hbm>>
    %dma_wait3A_93 = arith.constant 8 : i32
    %dma_wait3A_94 = arith.constant 0 : i32
    %dma_wait3A_95 = tpu.memref_slice %arg11[%dma_wait3A_93, %dma_wait3A_94] : memref<12x128xi32, #tpu.memory_space<vmem>> -> memref<4x128xi32, #tpu.memory_space<vmem>>
    %dma_wait3A_96 = arith.constant 0 : i32
    %dma_wait3A_97 = tpu.memref_slice %arg6[%mul3A_58, %dma_wait3A_96] : memref<128x128xi32, #tpu.memory_space<hbm>> -> memref<4x128xi32, #tpu.memory_space<hbm>>
    tpu.wait_dma2 semaphore(%arg20 : memref<!tpu.dma_semaphore, #tpu.memory_space<semaphore_mem>>) src(%dma_wait3A_97 : memref<4x128xi32, #tpu.memory_space<hbm>>) dst(%dma_wait3A_95 : memref<4x128xi32, #tpu.memory_space<vmem>>)
    %dma_start3A_98 = arith.constant 0 : i32
    %dma_start3A_99 = arith.constant 0 : i32
    %dma_start3A_100 = arith.constant 0 : i32
    %dma_start3A_101 = tpu.memref_slice %arg14[%dma_start3A_99, %dma_start3A_100] : memref<128x128xf32, #tpu.memory_space<vmem>> -> memref<128x128xf32, #tpu.memory_space<vmem>>
    %dma_start3A_102 = arith.constant 0 : i32
    %dma_start3A_103 = tpu.memref_slice %arg11[%dma_start3A_98, %dma_start3A_102] : memref<12x128xi32, #tpu.memory_space<vmem>> -> memref<1x128xi32, #tpu.memory_space<vmem>>
    %dma_start3A_104 = tpu.memref_squeeze %dma_start3A_103 : memref<1x128xi32, #tpu.memory_space<vmem>> -> memref<128xi32, #tpu.memory_space<vmem>>
    %dma_start3A_105 = arith.constant 0 : i32
    %dma_start3A_106 = arith.constant 0 : i32
    %dma_start3A_107 = tpu.memref_slice %arg2[%dma_start3A_105, %dma_start3A_106] : memref<100000x128xf32, #tpu.memory_space<hbm>> -> memref<100000x128xf32, #tpu.memory_space<hbm>>
    tpu.enqueue_indirect_dma source(%dma_start3A_107 : memref<100000x128xf32, #tpu.memory_space<hbm>>) target(%dma_start3A_101 : memref<128x128xf32, #tpu.memory_space<vmem>>) offsets(%dma_start3A_104 : memref<128xi32, #tpu.memory_space<vmem>>) semaphore(%arg22 : memref<!tpu.dma_semaphore, #tpu.memory_space<semaphore_mem>>)
    %dma_start3A_108 = arith.constant 1 : i32
    %dma_start3A_109 = arith.constant 0 : i32
    %dma_start3A_110 = arith.constant 0 : i32
    %dma_start3A_111 = tpu.memref_slice %arg15[%dma_start3A_109, %dma_start3A_110] : memref<128x128xf32, #tpu.memory_space<vmem>> -> memref<128x128xf32, #tpu.memory_space<vmem>>
    %dma_start3A_112 = arith.constant 0 : i32
    %dma_start3A_113 = tpu.memref_slice %arg11[%dma_start3A_108, %dma_start3A_112] : memref<12x128xi32, #tpu.memory_space<vmem>> -> memref<1x128xi32, #tpu.memory_space<vmem>>
    %dma_start3A_114 = tpu.memref_squeeze %dma_start3A_113 : memref<1x128xi32, #tpu.memory_space<vmem>> -> memref<128xi32, #tpu.memory_space<vmem>>
    %dma_start3A_115 = arith.constant 0 : i32
    %dma_start3A_116 = arith.constant 0 : i32
    %dma_start3A_117 = tpu.memref_slice %arg2[%dma_start3A_115, %dma_start3A_116] : memref<100000x128xf32, #tpu.memory_space<hbm>> -> memref<100000x128xf32, #tpu.memory_space<hbm>>
    tpu.enqueue_indirect_dma source(%dma_start3A_117 : memref<100000x128xf32, #tpu.memory_space<hbm>>) target(%dma_start3A_111 : memref<128x128xf32, #tpu.memory_space<vmem>>) offsets(%dma_start3A_114 : memref<128xi32, #tpu.memory_space<vmem>>) semaphore(%arg23 : memref<!tpu.dma_semaphore, #tpu.memory_space<semaphore_mem>>)
    %dma_start3A_118 = arith.constant 2 : i32
    %dma_start3A_119 = arith.constant 0 : i32
    %dma_start3A_120 = arith.constant 0 : i32
    %dma_start3A_121 = tpu.memref_slice %arg16[%dma_start3A_119, %dma_start3A_120] : memref<128x128xf32, #tpu.memory_space<vmem>> -> memref<128x128xf32, #tpu.memory_space<vmem>>
    %dma_start3A_122 = arith.constant 0 : i32
    %dma_start3A_123 = tpu.memref_slice %arg11[%dma_start3A_118, %dma_start3A_122] : memref<12x128xi32, #tpu.memory_space<vmem>> -> memref<1x128xi32, #tpu.memory_space<vmem>>
    %dma_start3A_124 = tpu.memref_squeeze %dma_start3A_123 : memref<1x128xi32, #tpu.memory_space<vmem>> -> memref<128xi32, #tpu.memory_space<vmem>>
    %dma_start3A_125 = arith.constant 0 : i32
    %dma_start3A_126 = arith.constant 0 : i32
    %dma_start3A_127 = tpu.memref_slice %arg2[%dma_start3A_125, %dma_start3A_126] : memref<100000x128xf32, #tpu.memory_space<hbm>> -> memref<100000x128xf32, #tpu.memory_space<hbm>>
    tpu.enqueue_indirect_dma source(%dma_start3A_127 : memref<100000x128xf32, #tpu.memory_space<hbm>>) target(%dma_start3A_121 : memref<128x128xf32, #tpu.memory_space<vmem>>) offsets(%dma_start3A_124 : memref<128xi32, #tpu.memory_space<vmem>>) semaphore(%arg24 : memref<!tpu.dma_semaphore, #tpu.memory_space<semaphore_mem>>)
    %dma_start3A_128 = arith.constant 3 : i32
    %dma_start3A_129 = arith.constant 0 : i32
    %dma_start3A_130 = arith.constant 0 : i32
    %dma_start3A_131 = tpu.memref_slice %arg17[%dma_start3A_129, %dma_start3A_130] : memref<128x128xf32, #tpu.memory_space<vmem>> -> memref<128x128xf32, #tpu.memory_space<vmem>>
    %dma_start3A_132 = arith.constant 0 : i32
    %dma_start3A_133 = tpu.memref_slice %arg11[%dma_start3A_128, %dma_start3A_132] : memref<12x128xi32, #tpu.memory_space<vmem>> -> memref<1x128xi32, #tpu.memory_space<vmem>>
    %dma_start3A_134 = tpu.memref_squeeze %dma_start3A_133 : memref<1x128xi32, #tpu.memory_space<vmem>> -> memref<128xi32, #tpu.memory_space<vmem>>
    %dma_start3A_135 = arith.constant 0 : i32
    %dma_start3A_136 = arith.constant 0 : i32
    %dma_start3A_137 = tpu.memref_slice %arg2[%dma_start3A_135, %dma_start3A_136] : memref<100000x128xf32, #tpu.memory_space<hbm>> -> memref<100000x128xf32, #tpu.memory_space<hbm>>
    tpu.enqueue_indirect_dma source(%dma_start3A_137 : memref<100000x128xf32, #tpu.memory_space<hbm>>) target(%dma_start3A_131 : memref<128x128xf32, #tpu.memory_space<vmem>>) offsets(%dma_start3A_134 : memref<128xi32, #tpu.memory_space<vmem>>) semaphore(%arg25 : memref<!tpu.dma_semaphore, #tpu.memory_space<semaphore_mem>>)
    %dma_start3A_138 = arith.constant 4 : i32
    %dma_start3A_139 = arith.constant 0 : i32
    %dma_start3A_140 = arith.constant 0 : i32
    %dma_start3A_141 = tpu.memref_slice %arg18[%dma_start3A_139, %dma_start3A_140] : memref<128x128xf32, #tpu.memory_space<vmem>> -> memref<128x128xf32, #tpu.memory_space<vmem>>
    %dma_start3A_142 = arith.constant 0 : i32
    %dma_start3A_143 = tpu.memref_slice %arg11[%dma_start3A_138, %dma_start3A_142] : memref<12x128xi32, #tpu.memory_space<vmem>> -> memref<1x128xi32, #tpu.memory_space<vmem>>
    %dma_start3A_144 = tpu.memref_squeeze %dma_start3A_143 : memref<1x128xi32, #tpu.memory_space<vmem>> -> memref<128xi32, #tpu.memory_space<vmem>>
    %dma_start3A_145 = arith.constant 0 : i32
    %dma_start3A_146 = arith.constant 0 : i32
    %dma_start3A_147 = tpu.memref_slice %arg3[%dma_start3A_145, %dma_start3A_146] : memref<100000x128xf32, #tpu.memory_space<hbm>> -> memref<100000x128xf32, #tpu.memory_space<hbm>>
    tpu.enqueue_indirect_dma source(%dma_start3A_147 : memref<100000x128xf32, #tpu.memory_space<hbm>>) target(%dma_start3A_141 : memref<128x128xf32, #tpu.memory_space<vmem>>) offsets(%dma_start3A_144 : memref<128xi32, #tpu.memory_space<vmem>>) semaphore(%arg26 : memref<!tpu.dma_semaphore, #tpu.memory_space<semaphore_mem>>)
    %dma_start3A_148 = arith.constant 5 : i32
    %dma_start3A_149 = arith.constant 0 : i32
    %dma_start3A_150 = arith.constant 0 : i32
    %dma_start3A_151 = tpu.memref_slice %arg19[%dma_start3A_149, %dma_start3A_150] : memref<128x128xf32, #tpu.memory_space<vmem>> -> memref<128x128xf32, #tpu.memory_space<vmem>>
    %dma_start3A_152 = arith.constant 0 : i32
    %dma_start3A_153 = tpu.memref_slice %arg11[%dma_start3A_148, %dma_start3A_152] : memref<12x128xi32, #tpu.memory_space<vmem>> -> memref<1x128xi32, #tpu.memory_space<vmem>>
    %dma_start3A_154 = tpu.memref_squeeze %dma_start3A_153 : memref<1x128xi32, #tpu.memory_space<vmem>> -> memref<128xi32, #tpu.memory_space<vmem>>
    %dma_start3A_155 = arith.constant 0 : i32
    %dma_start3A_156 = arith.constant 0 : i32
    %dma_start3A_157 = tpu.memref_slice %arg3[%dma_start3A_155, %dma_start3A_156] : memref<100000x128xf32, #tpu.memory_space<hbm>> -> memref<100000x128xf32, #tpu.memory_space<hbm>>
    tpu.enqueue_indirect_dma source(%dma_start3A_157 : memref<100000x128xf32, #tpu.memory_space<hbm>>) target(%dma_start3A_151 : memref<128x128xf32, #tpu.memory_space<vmem>>) offsets(%dma_start3A_154 : memref<128xi32, #tpu.memory_space<vmem>>) semaphore(%arg27 : memref<!tpu.dma_semaphore, #tpu.memory_space<semaphore_mem>>)
    %dma_wait3A_158 = arith.constant 0 : i32
    %dma_wait3A_159 = tpu.memref_slice %arg4[%min3A_29, %dma_wait3A_158] : memref<1000x128xf32, #tpu.memory_space<hbm>> -> memref<64x128xf32, #tpu.memory_space<hbm>>
    %dma_wait3A_160 = arith.constant 0 : i32
    %dma_wait3A_161 = tpu.memref_slice %arg4[%min3A_29, %dma_wait3A_160] : memref<1000x128xf32, #tpu.memory_space<hbm>> -> memref<64x128xf32, #tpu.memory_space<hbm>>
    tpu.wait_dma2 semaphore(%arg21 : memref<!tpu.dma_semaphore, #tpu.memory_space<semaphore_mem>>) src(%dma_wait3A_161 : memref<64x128xf32, #tpu.memory_space<hbm>>) dst(%arg12 : memref<64x128xf32, #tpu.memory_space<vmem>>)
    %dma_start3A_162 = arith.constant 0 : i32
    %dma_start3A_163 = tpu.memref_slice %arg13[%min3A_29, %dma_start3A_162] : memref<1000x128xf32, #tpu.memory_space<vmem_shared>> -> memref<64x128xf32, #tpu.memory_space<vmem_shared>>
    %dma_start3A_164 = arith.constant 0 : i32
    %dma_start3A_165 = tpu.memref_slice %arg13[%min3A_29, %dma_start3A_164] : memref<1000x128xf32, #tpu.memory_space<vmem_shared>> -> memref<64x128xf32, #tpu.memory_space<vmem_shared>>
    tpu.enqueue_dma source(%arg12 : memref<64x128xf32, #tpu.memory_space<vmem>>) target(%dma_start3A_165 : memref<64x128xf32, #tpu.memory_space<vmem_shared>>) target_semaphore(%arg21 : memref<!tpu.dma_semaphore, #tpu.memory_space<semaphore_mem>>)
    %dma_wait3A_166 = arith.constant 0 : i32
    %dma_wait3A_167 = tpu.memref_slice %arg13[%min3A_29, %dma_wait3A_166] : memref<1000x128xf32, #tpu.memory_space<vmem_shared>> -> memref<64x128xf32, #tpu.memory_space<vmem_shared>>
    %dma_wait3A_168 = arith.constant 0 : i32
    %dma_wait3A_169 = tpu.memref_slice %arg13[%min3A_29, %dma_wait3A_168] : memref<1000x128xf32, #tpu.memory_space<vmem_shared>> -> memref<64x128xf32, #tpu.memory_space<vmem_shared>>
    tpu.wait_dma2 semaphore(%arg21 : memref<!tpu.dma_semaphore, #tpu.memory_space<semaphore_mem>>) src(%arg12 : memref<64x128xf32, #tpu.memory_space<vmem>>) dst(%dma_wait3A_169 : memref<64x128xf32, #tpu.memory_space<vmem_shared>>)
    %dma_wait3A_170 = arith.constant 0 : i32
    %dma_wait3A_171 = arith.constant 0 : i32
    %dma_wait3A_172 = arith.constant 0 : i32
    %dma_wait3A_173 = tpu.memref_slice %arg14[%dma_wait3A_171, %dma_wait3A_172] : memref<128x128xf32, #tpu.memory_space<vmem>> -> memref<128x128xf32, #tpu.memory_space<vmem>>
    %dma_wait3A_174 = arith.constant 0 : i32
    %dma_wait3A_175 = tpu.memref_slice %arg11[%dma_wait3A_170, %dma_wait3A_174] : memref<12x128xi32, #tpu.memory_space<vmem>> -> memref<1x128xi32, #tpu.memory_space<vmem>>
    %dma_wait3A_176 = tpu.memref_squeeze %dma_wait3A_175 : memref<1x128xi32, #tpu.memory_space<vmem>> -> memref<128xi32, #tpu.memory_space<vmem>>
    %dma_wait3A_177 = arith.constant 0 : i32
    %dma_wait3A_178 = arith.constant 0 : i32
    %dma_wait3A_179 = tpu.memref_slice %arg2[%dma_wait3A_177, %dma_wait3A_178] : memref<100000x128xf32, #tpu.memory_space<hbm>> -> memref<100000x128xf32, #tpu.memory_space<hbm>>
    tpu.wait_indirect_dma semaphore(%arg22 : memref<!tpu.dma_semaphore, #tpu.memory_space<semaphore_mem>>) src(%dma_wait3A_179 : memref<100000x128xf32, #tpu.memory_space<hbm>>) dst(%dma_wait3A_173 : memref<128x128xf32, #tpu.memory_space<vmem>>)
    %dma_start3A_180 = arith.constant 0 : i32
    %dma_start3A_181 = tpu.memref_slice %arg8[%add3A_4, %dma_start3A_180] : memref<16384x128xf32, #tpu.memory_space<hbm>> -> memref<128x128xf32, #tpu.memory_space<hbm>>
    %dma_start3A_182 = arith.constant 0 : i32
    %dma_start3A_183 = tpu.memref_slice %arg8[%add3A_4, %dma_start3A_182] : memref<16384x128xf32, #tpu.memory_space<hbm>> -> memref<128x128xf32, #tpu.memory_space<hbm>>
    tpu.enqueue_dma source(%arg14 : memref<128x128xf32, #tpu.memory_space<vmem>>) target(%dma_start3A_183 : memref<128x128xf32, #tpu.memory_space<hbm>>) target_semaphore(%arg28 : memref<!tpu.dma_semaphore, #tpu.memory_space<semaphore_mem>>)
    %dma_wait3A_184 = arith.constant 1 : i32
    %dma_wait3A_185 = arith.constant 0 : i32
    %dma_wait3A_186 = arith.constant 0 : i32
    %dma_wait3A_187 = tpu.memref_slice %arg15[%dma_wait3A_185, %dma_wait3A_186] : memref<128x128xf32, #tpu.memory_space<vmem>> -> memref<128x128xf32, #tpu.memory_space<vmem>>
    %dma_wait3A_188 = arith.constant 0 : i32
    %dma_wait3A_189 = tpu.memref_slice %arg11[%dma_wait3A_184, %dma_wait3A_188] : memref<12x128xi32, #tpu.memory_space<vmem>> -> memref<1x128xi32, #tpu.memory_space<vmem>>
    %dma_wait3A_190 = tpu.memref_squeeze %dma_wait3A_189 : memref<1x128xi32, #tpu.memory_space<vmem>> -> memref<128xi32, #tpu.memory_space<vmem>>
    %dma_wait3A_191 = arith.constant 0 : i32
    %dma_wait3A_192 = arith.constant 0 : i32
    %dma_wait3A_193 = tpu.memref_slice %arg2[%dma_wait3A_191, %dma_wait3A_192] : memref<100000x128xf32, #tpu.memory_space<hbm>> -> memref<100000x128xf32, #tpu.memory_space<hbm>>
    tpu.wait_indirect_dma semaphore(%arg23 : memref<!tpu.dma_semaphore, #tpu.memory_space<semaphore_mem>>) src(%dma_wait3A_193 : memref<100000x128xf32, #tpu.memory_space<hbm>>) dst(%dma_wait3A_187 : memref<128x128xf32, #tpu.memory_space<vmem>>)
    %dma_start3A_194 = arith.constant 0 : i32
    %dma_start3A_195 = tpu.memref_slice %arg8[%add3A_6, %dma_start3A_194] : memref<16384x128xf32, #tpu.memory_space<hbm>> -> memref<128x128xf32, #tpu.memory_space<hbm>>
    %dma_start3A_196 = arith.constant 0 : i32
    %dma_start3A_197 = tpu.memref_slice %arg8[%add3A_6, %dma_start3A_196] : memref<16384x128xf32, #tpu.memory_space<hbm>> -> memref<128x128xf32, #tpu.memory_space<hbm>>
    tpu.enqueue_dma source(%arg15 : memref<128x128xf32, #tpu.memory_space<vmem>>) target(%dma_start3A_197 : memref<128x128xf32, #tpu.memory_space<hbm>>) target_semaphore(%arg29 : memref<!tpu.dma_semaphore, #tpu.memory_space<semaphore_mem>>)
    %dma_wait3A_198 = arith.constant 2 : i32
    %dma_wait3A_199 = arith.constant 0 : i32
    %dma_wait3A_200 = arith.constant 0 : i32
    %dma_wait3A_201 = tpu.memref_slice %arg16[%dma_wait3A_199, %dma_wait3A_200] : memref<128x128xf32, #tpu.memory_space<vmem>> -> memref<128x128xf32, #tpu.memory_space<vmem>>
    %dma_wait3A_202 = arith.constant 0 : i32
    %dma_wait3A_203 = tpu.memref_slice %arg11[%dma_wait3A_198, %dma_wait3A_202] : memref<12x128xi32, #tpu.memory_space<vmem>> -> memref<1x128xi32, #tpu.memory_space<vmem>>
    %dma_wait3A_204 = tpu.memref_squeeze %dma_wait3A_203 : memref<1x128xi32, #tpu.memory_space<vmem>> -> memref<128xi32, #tpu.memory_space<vmem>>
    %dma_wait3A_205 = arith.constant 0 : i32
    %dma_wait3A_206 = arith.constant 0 : i32
    %dma_wait3A_207 = tpu.memref_slice %arg2[%dma_wait3A_205, %dma_wait3A_206] : memref<100000x128xf32, #tpu.memory_space<hbm>> -> memref<100000x128xf32, #tpu.memory_space<hbm>>
    tpu.wait_indirect_dma semaphore(%arg24 : memref<!tpu.dma_semaphore, #tpu.memory_space<semaphore_mem>>) src(%dma_wait3A_207 : memref<100000x128xf32, #tpu.memory_space<hbm>>) dst(%dma_wait3A_201 : memref<128x128xf32, #tpu.memory_space<vmem>>)
    %dma_start3A_208 = arith.constant 0 : i32
    %dma_start3A_209 = tpu.memref_slice %arg8[%add3A_8, %dma_start3A_208] : memref<16384x128xf32, #tpu.memory_space<hbm>> -> memref<128x128xf32, #tpu.memory_space<hbm>>
    %dma_start3A_210 = arith.constant 0 : i32
    %dma_start3A_211 = tpu.memref_slice %arg8[%add3A_8, %dma_start3A_210] : memref<16384x128xf32, #tpu.memory_space<hbm>> -> memref<128x128xf32, #tpu.memory_space<hbm>>
    tpu.enqueue_dma source(%arg16 : memref<128x128xf32, #tpu.memory_space<vmem>>) target(%dma_start3A_211 : memref<128x128xf32, #tpu.memory_space<hbm>>) target_semaphore(%arg30 : memref<!tpu.dma_semaphore, #tpu.memory_space<semaphore_mem>>)
    %dma_wait3A_212 = arith.constant 3 : i32
    %dma_wait3A_213 = arith.constant 0 : i32
    %dma_wait3A_214 = arith.constant 0 : i32
    %dma_wait3A_215 = tpu.memref_slice %arg17[%dma_wait3A_213, %dma_wait3A_214] : memref<128x128xf32, #tpu.memory_space<vmem>> -> memref<128x128xf32, #tpu.memory_space<vmem>>
    %dma_wait3A_216 = arith.constant 0 : i32
    %dma_wait3A_217 = tpu.memref_slice %arg11[%dma_wait3A_212, %dma_wait3A_216] : memref<12x128xi32, #tpu.memory_space<vmem>> -> memref<1x128xi32, #tpu.memory_space<vmem>>
    %dma_wait3A_218 = tpu.memref_squeeze %dma_wait3A_217 : memref<1x128xi32, #tpu.memory_space<vmem>> -> memref<128xi32, #tpu.memory_space<vmem>>
    %dma_wait3A_219 = arith.constant 0 : i32
    %dma_wait3A_220 = arith.constant 0 : i32
    %dma_wait3A_221 = tpu.memref_slice %arg2[%dma_wait3A_219, %dma_wait3A_220] : memref<100000x128xf32, #tpu.memory_space<hbm>> -> memref<100000x128xf32, #tpu.memory_space<hbm>>
    tpu.wait_indirect_dma semaphore(%arg25 : memref<!tpu.dma_semaphore, #tpu.memory_space<semaphore_mem>>) src(%dma_wait3A_221 : memref<100000x128xf32, #tpu.memory_space<hbm>>) dst(%dma_wait3A_215 : memref<128x128xf32, #tpu.memory_space<vmem>>)
    %dma_start3A_222 = arith.constant 0 : i32
    %dma_start3A_223 = tpu.memref_slice %arg8[%add3A_10, %dma_start3A_222] : memref<16384x128xf32, #tpu.memory_space<hbm>> -> memref<128x128xf32, #tpu.memory_space<hbm>>
    %dma_start3A_224 = arith.constant 0 : i32
    %dma_start3A_225 = tpu.memref_slice %arg8[%add3A_10, %dma_start3A_224] : memref<16384x128xf32, #tpu.memory_space<hbm>> -> memref<128x128xf32, #tpu.memory_space<hbm>>
    tpu.enqueue_dma source(%arg17 : memref<128x128xf32, #tpu.memory_space<vmem>>) target(%dma_start3A_225 : memref<128x128xf32, #tpu.memory_space<hbm>>) target_semaphore(%arg31 : memref<!tpu.dma_semaphore, #tpu.memory_space<semaphore_mem>>)
    %dma_wait3A_226 = arith.constant 4 : i32
    %dma_wait3A_227 = arith.constant 0 : i32
    %dma_wait3A_228 = arith.constant 0 : i32
    %dma_wait3A_229 = tpu.memref_slice %arg18[%dma_wait3A_227, %dma_wait3A_228] : memref<128x128xf32, #tpu.memory_space<vmem>> -> memref<128x128xf32, #tpu.memory_space<vmem>>
    %dma_wait3A_230 = arith.constant 0 : i32
    %dma_wait3A_231 = tpu.memref_slice %arg11[%dma_wait3A_226, %dma_wait3A_230] : memref<12x128xi32, #tpu.memory_space<vmem>> -> memref<1x128xi32, #tpu.memory_space<vmem>>
    %dma_wait3A_232 = tpu.memref_squeeze %dma_wait3A_231 : memref<1x128xi32, #tpu.memory_space<vmem>> -> memref<128xi32, #tpu.memory_space<vmem>>
    %dma_wait3A_233 = arith.constant 0 : i32
    %dma_wait3A_234 = arith.constant 0 : i32
    %dma_wait3A_235 = tpu.memref_slice %arg3[%dma_wait3A_233, %dma_wait3A_234] : memref<100000x128xf32, #tpu.memory_space<hbm>> -> memref<100000x128xf32, #tpu.memory_space<hbm>>
    tpu.wait_indirect_dma semaphore(%arg26 : memref<!tpu.dma_semaphore, #tpu.memory_space<semaphore_mem>>) src(%dma_wait3A_235 : memref<100000x128xf32, #tpu.memory_space<hbm>>) dst(%dma_wait3A_229 : memref<128x128xf32, #tpu.memory_space<vmem>>)
    %dma_start3A_236 = arith.constant 0 : i32
    %dma_start3A_237 = tpu.memref_slice %arg9[%add3A_12, %dma_start3A_236] : memref<16384x128xf32, #tpu.memory_space<hbm>> -> memref<128x128xf32, #tpu.memory_space<hbm>>
    %dma_start3A_238 = arith.constant 0 : i32
    %dma_start3A_239 = tpu.memref_slice %arg9[%add3A_12, %dma_start3A_238] : memref<16384x128xf32, #tpu.memory_space<hbm>> -> memref<128x128xf32, #tpu.memory_space<hbm>>
    tpu.enqueue_dma source(%arg18 : memref<128x128xf32, #tpu.memory_space<vmem>>) target(%dma_start3A_239 : memref<128x128xf32, #tpu.memory_space<hbm>>) target_semaphore(%arg32 : memref<!tpu.dma_semaphore, #tpu.memory_space<semaphore_mem>>)
    %dma_wait3A_240 = arith.constant 5 : i32
    %dma_wait3A_241 = arith.constant 0 : i32
    %dma_wait3A_242 = arith.constant 0 : i32
    %dma_wait3A_243 = tpu.memref_slice %arg19[%dma_wait3A_241, %dma_wait3A_242] : memref<128x128xf32, #tpu.memory_space<vmem>> -> memref<128x128xf32, #tpu.memory_space<vmem>>
    %dma_wait3A_244 = arith.constant 0 : i32
    %dma_wait3A_245 = tpu.memref_slice %arg11[%dma_wait3A_240, %dma_wait3A_244] : memref<12x128xi32, #tpu.memory_space<vmem>> -> memref<1x128xi32, #tpu.memory_space<vmem>>
    %dma_wait3A_246 = tpu.memref_squeeze %dma_wait3A_245 : memref<1x128xi32, #tpu.memory_space<vmem>> -> memref<128xi32, #tpu.memory_space<vmem>>
    %dma_wait3A_247 = arith.constant 0 : i32
    %dma_wait3A_248 = arith.constant 0 : i32
    %dma_wait3A_249 = tpu.memref_slice %arg3[%dma_wait3A_247, %dma_wait3A_248] : memref<100000x128xf32, #tpu.memory_space<hbm>> -> memref<100000x128xf32, #tpu.memory_space<hbm>>
    tpu.wait_indirect_dma semaphore(%arg27 : memref<!tpu.dma_semaphore, #tpu.memory_space<semaphore_mem>>) src(%dma_wait3A_249 : memref<100000x128xf32, #tpu.memory_space<hbm>>) dst(%dma_wait3A_243 : memref<128x128xf32, #tpu.memory_space<vmem>>)
    %dma_start3A_250 = arith.constant 0 : i32
    %dma_start3A_251 = tpu.memref_slice %arg9[%add3A_14, %dma_start3A_250] : memref<16384x128xf32, #tpu.memory_space<hbm>> -> memref<128x128xf32, #tpu.memory_space<hbm>>
    %dma_start3A_252 = arith.constant 0 : i32
    %dma_start3A_253 = tpu.memref_slice %arg9[%add3A_14, %dma_start3A_252] : memref<16384x128xf32, #tpu.memory_space<hbm>> -> memref<128x128xf32, #tpu.memory_space<hbm>>
    tpu.enqueue_dma source(%arg19 : memref<128x128xf32, #tpu.memory_space<vmem>>) target(%dma_start3A_253 : memref<128x128xf32, #tpu.memory_space<hbm>>) target_semaphore(%arg33 : memref<!tpu.dma_semaphore, #tpu.memory_space<semaphore_mem>>)
    %dma_wait3A_254 = arith.constant 0 : i32
    %dma_wait3A_255 = tpu.memref_slice %arg8[%add3A_4, %dma_wait3A_254] : memref<16384x128xf32, #tpu.memory_space<hbm>> -> memref<128x128xf32, #tpu.memory_space<hbm>>
    %dma_wait3A_256 = arith.constant 0 : i32
    %dma_wait3A_257 = tpu.memref_slice %arg8[%add3A_4, %dma_wait3A_256] : memref<16384x128xf32, #tpu.memory_space<hbm>> -> memref<128x128xf32, #tpu.memory_space<hbm>>
    tpu.wait_dma2 semaphore(%arg28 : memref<!tpu.dma_semaphore, #tpu.memory_space<semaphore_mem>>) src(%arg14 : memref<128x128xf32, #tpu.memory_space<vmem>>) dst(%dma_wait3A_257 : memref<128x128xf32, #tpu.memory_space<hbm>>)
    %dma_start3A_258 = arith.constant 6 : i32
    %dma_start3A_259 = arith.constant 0 : i32
    %dma_start3A_260 = arith.constant 0 : i32
    %dma_start3A_261 = tpu.memref_slice %arg14[%dma_start3A_259, %dma_start3A_260] : memref<128x128xf32, #tpu.memory_space<vmem>> -> memref<128x128xf32, #tpu.memory_space<vmem>>
    %dma_start3A_262 = arith.constant 0 : i32
    %dma_start3A_263 = tpu.memref_slice %arg11[%dma_start3A_258, %dma_start3A_262] : memref<12x128xi32, #tpu.memory_space<vmem>> -> memref<1x128xi32, #tpu.memory_space<vmem>>
    %dma_start3A_264 = tpu.memref_squeeze %dma_start3A_263 : memref<1x128xi32, #tpu.memory_space<vmem>> -> memref<128xi32, #tpu.memory_space<vmem>>
    %dma_start3A_265 = arith.constant 0 : i32
    %dma_start3A_266 = arith.constant 0 : i32
    %dma_start3A_267 = tpu.memref_slice %arg3[%dma_start3A_265, %dma_start3A_266] : memref<100000x128xf32, #tpu.memory_space<hbm>> -> memref<100000x128xf32, #tpu.memory_space<hbm>>
    tpu.enqueue_indirect_dma source(%dma_start3A_267 : memref<100000x128xf32, #tpu.memory_space<hbm>>) target(%dma_start3A_261 : memref<128x128xf32, #tpu.memory_space<vmem>>) offsets(%dma_start3A_264 : memref<128xi32, #tpu.memory_space<vmem>>) semaphore(%arg22 : memref<!tpu.dma_semaphore, #tpu.memory_space<semaphore_mem>>)
    %dma_wait3A_268 = arith.constant 0 : i32
    %dma_wait3A_269 = tpu.memref_slice %arg8[%add3A_6, %dma_wait3A_268] : memref<16384x128xf32, #tpu.memory_space<hbm>> -> memref<128x128xf32, #tpu.memory_space<hbm>>
    %dma_wait3A_270 = arith.constant 0 : i32
    %dma_wait3A_271 = tpu.memref_slice %arg8[%add3A_6, %dma_wait3A_270] : memref<16384x128xf32, #tpu.memory_space<hbm>> -> memref<128x128xf32, #tpu.memory_space<hbm>>
    tpu.wait_dma2 semaphore(%arg29 : memref<!tpu.dma_semaphore, #tpu.memory_space<semaphore_mem>>) src(%arg15 : memref<128x128xf32, #tpu.memory_space<vmem>>) dst(%dma_wait3A_271 : memref<128x128xf32, #tpu.memory_space<hbm>>)
    %dma_start3A_272 = arith.constant 7 : i32
    %dma_start3A_273 = arith.constant 0 : i32
    %dma_start3A_274 = arith.constant 0 : i32
    %dma_start3A_275 = tpu.memref_slice %arg15[%dma_start3A_273, %dma_start3A_274] : memref<128x128xf32, #tpu.memory_space<vmem>> -> memref<128x128xf32, #tpu.memory_space<vmem>>
    %dma_start3A_276 = arith.constant 0 : i32
    %dma_start3A_277 = tpu.memref_slice %arg11[%dma_start3A_272, %dma_start3A_276] : memref<12x128xi32, #tpu.memory_space<vmem>> -> memref<1x128xi32, #tpu.memory_space<vmem>>
    %dma_start3A_278 = tpu.memref_squeeze %dma_start3A_277 : memref<1x128xi32, #tpu.memory_space<vmem>> -> memref<128xi32, #tpu.memory_space<vmem>>
    %dma_start3A_279 = arith.constant 0 : i32
    %dma_start3A_280 = arith.constant 0 : i32
    %dma_start3A_281 = tpu.memref_slice %arg3[%dma_start3A_279, %dma_start3A_280] : memref<100000x128xf32, #tpu.memory_space<hbm>> -> memref<100000x128xf32, #tpu.memory_space<hbm>>
    tpu.enqueue_indirect_dma source(%dma_start3A_281 : memref<100000x128xf32, #tpu.memory_space<hbm>>) target(%dma_start3A_275 : memref<128x128xf32, #tpu.memory_space<vmem>>) offsets(%dma_start3A_278 : memref<128xi32, #tpu.memory_space<vmem>>) semaphore(%arg23 : memref<!tpu.dma_semaphore, #tpu.memory_space<semaphore_mem>>)
    %dma_wait3A_282 = arith.constant 0 : i32
    %dma_wait3A_283 = tpu.memref_slice %arg8[%add3A_8, %dma_wait3A_282] : memref<16384x128xf32, #tpu.memory_space<hbm>> -> memref<128x128xf32, #tpu.memory_space<hbm>>
    %dma_wait3A_284 = arith.constant 0 : i32
    %dma_wait3A_285 = tpu.memref_slice %arg8[%add3A_8, %dma_wait3A_284] : memref<16384x128xf32, #tpu.memory_space<hbm>> -> memref<128x128xf32, #tpu.memory_space<hbm>>
    tpu.wait_dma2 semaphore(%arg30 : memref<!tpu.dma_semaphore, #tpu.memory_space<semaphore_mem>>) src(%arg16 : memref<128x128xf32, #tpu.memory_space<vmem>>) dst(%dma_wait3A_285 : memref<128x128xf32, #tpu.memory_space<hbm>>)
    %barrier3A = arith.constant 0 : index
    tpu.barrier barrier_id(%barrier3A)
    %dma_start3A_286 = arith.constant 8 : i32
    %dma_start3A_287 = arith.constant 0 : i32
    %dma_start3A_288 = arith.constant 0 : i32
    %dma_start3A_289 = tpu.memref_slice %arg16[%dma_start3A_287, %dma_start3A_288] : memref<128x128xf32, #tpu.memory_space<vmem>> -> memref<128x128xf32, #tpu.memory_space<vmem>>
    %dma_start3A_290 = arith.constant 0 : i32
    %dma_start3A_291 = tpu.memref_slice %arg11[%dma_start3A_286, %dma_start3A_290] : memref<12x128xi32, #tpu.memory_space<vmem>> -> memref<1x128xi32, #tpu.memory_space<vmem>>
    %dma_start3A_292 = tpu.memref_squeeze %dma_start3A_291 : memref<1x128xi32, #tpu.memory_space<vmem>> -> memref<128xi32, #tpu.memory_space<vmem>>
    %dma_start3A_293 = arith.constant 0 : i32
    %dma_start3A_294 = arith.constant 0 : i32
    %dma_start3A_295 = tpu.memref_slice %arg13[%dma_start3A_293, %dma_start3A_294] : memref<1000x128xf32, #tpu.memory_space<vmem_shared>> -> memref<1000x128xf32, #tpu.memory_space<vmem_shared>>
    tpu.enqueue_indirect_dma source(%dma_start3A_295 : memref<1000x128xf32, #tpu.memory_space<vmem_shared>>) target(%dma_start3A_289 : memref<128x128xf32, #tpu.memory_space<vmem>>) offsets(%dma_start3A_292 : memref<128xi32, #tpu.memory_space<vmem>>) semaphore(%arg24 : memref<!tpu.dma_semaphore, #tpu.memory_space<semaphore_mem>>)
    %dma_wait3A_296 = arith.constant 0 : i32
    %dma_wait3A_297 = tpu.memref_slice %arg8[%add3A_10, %dma_wait3A_296] : memref<16384x128xf32, #tpu.memory_space<hbm>> -> memref<128x128xf32, #tpu.memory_space<hbm>>
    %dma_wait3A_298 = arith.constant 0 : i32
    %dma_wait3A_299 = tpu.memref_slice %arg8[%add3A_10, %dma_wait3A_298] : memref<16384x128xf32, #tpu.memory_space<hbm>> -> memref<128x128xf32, #tpu.memory_space<hbm>>
    tpu.wait_dma2 semaphore(%arg31 : memref<!tpu.dma_semaphore, #tpu.memory_space<semaphore_mem>>) src(%arg17 : memref<128x128xf32, #tpu.memory_space<vmem>>) dst(%dma_wait3A_299 : memref<128x128xf32, #tpu.memory_space<hbm>>)
    %dma_start3A_300 = arith.constant 9 : i32
    %dma_start3A_301 = arith.constant 0 : i32
    %dma_start3A_302 = arith.constant 0 : i32
    %dma_start3A_303 = tpu.memref_slice %arg17[%dma_start3A_301, %dma_start3A_302] : memref<128x128xf32, #tpu.memory_space<vmem>> -> memref<128x128xf32, #tpu.memory_space<vmem>>
    %dma_start3A_304 = arith.constant 0 : i32
    %dma_start3A_305 = tpu.memref_slice %arg11[%dma_start3A_300, %dma_start3A_304] : memref<12x128xi32, #tpu.memory_space<vmem>> -> memref<1x128xi32, #tpu.memory_space<vmem>>
    %dma_start3A_306 = tpu.memref_squeeze %dma_start3A_305 : memref<1x128xi32, #tpu.memory_space<vmem>> -> memref<128xi32, #tpu.memory_space<vmem>>
    %dma_start3A_307 = arith.constant 0 : i32
    %dma_start3A_308 = arith.constant 0 : i32
    %dma_start3A_309 = tpu.memref_slice %arg13[%dma_start3A_307, %dma_start3A_308] : memref<1000x128xf32, #tpu.memory_space<vmem_shared>> -> memref<1000x128xf32, #tpu.memory_space<vmem_shared>>
    tpu.enqueue_indirect_dma source(%dma_start3A_309 : memref<1000x128xf32, #tpu.memory_space<vmem_shared>>) target(%dma_start3A_303 : memref<128x128xf32, #tpu.memory_space<vmem>>) offsets(%dma_start3A_306 : memref<128xi32, #tpu.memory_space<vmem>>) semaphore(%arg25 : memref<!tpu.dma_semaphore, #tpu.memory_space<semaphore_mem>>)
    %dma_wait3A_310 = arith.constant 0 : i32
    %dma_wait3A_311 = tpu.memref_slice %arg9[%add3A_12, %dma_wait3A_310] : memref<16384x128xf32, #tpu.memory_space<hbm>> -> memref<128x128xf32, #tpu.memory_space<hbm>>
    %dma_wait3A_312 = arith.constant 0 : i32
    %dma_wait3A_313 = tpu.memref_slice %arg9[%add3A_12, %dma_wait3A_312] : memref<16384x128xf32, #tpu.memory_space<hbm>> -> memref<128x128xf32, #tpu.memory_space<hbm>>
    tpu.wait_dma2 semaphore(%arg32 : memref<!tpu.dma_semaphore, #tpu.memory_space<semaphore_mem>>) src(%arg18 : memref<128x128xf32, #tpu.memory_space<vmem>>) dst(%dma_wait3A_313 : memref<128x128xf32, #tpu.memory_space<hbm>>)
    %dma_start3A_314 = arith.constant 10 : i32
    %dma_start3A_315 = arith.constant 0 : i32
    %dma_start3A_316 = arith.constant 0 : i32
    %dma_start3A_317 = tpu.memref_slice %arg18[%dma_start3A_315, %dma_start3A_316] : memref<128x128xf32, #tpu.memory_space<vmem>> -> memref<128x128xf32, #tpu.memory_space<vmem>>
    %dma_start3A_318 = arith.constant 0 : i32
    %dma_start3A_319 = tpu.memref_slice %arg11[%dma_start3A_314, %dma_start3A_318] : memref<12x128xi32, #tpu.memory_space<vmem>> -> memref<1x128xi32, #tpu.memory_space<vmem>>
    %dma_start3A_320 = tpu.memref_squeeze %dma_start3A_319 : memref<1x128xi32, #tpu.memory_space<vmem>> -> memref<128xi32, #tpu.memory_space<vmem>>
    %dma_start3A_321 = arith.constant 0 : i32
    %dma_start3A_322 = arith.constant 0 : i32
    %dma_start3A_323 = tpu.memref_slice %arg13[%dma_start3A_321, %dma_start3A_322] : memref<1000x128xf32, #tpu.memory_space<vmem_shared>> -> memref<1000x128xf32, #tpu.memory_space<vmem_shared>>
    tpu.enqueue_indirect_dma source(%dma_start3A_323 : memref<1000x128xf32, #tpu.memory_space<vmem_shared>>) target(%dma_start3A_317 : memref<128x128xf32, #tpu.memory_space<vmem>>) offsets(%dma_start3A_320 : memref<128xi32, #tpu.memory_space<vmem>>) semaphore(%arg26 : memref<!tpu.dma_semaphore, #tpu.memory_space<semaphore_mem>>)
    %dma_wait3A_324 = arith.constant 0 : i32
    %dma_wait3A_325 = tpu.memref_slice %arg9[%add3A_14, %dma_wait3A_324] : memref<16384x128xf32, #tpu.memory_space<hbm>> -> memref<128x128xf32, #tpu.memory_space<hbm>>
    %dma_wait3A_326 = arith.constant 0 : i32
    %dma_wait3A_327 = tpu.memref_slice %arg9[%add3A_14, %dma_wait3A_326] : memref<16384x128xf32, #tpu.memory_space<hbm>> -> memref<128x128xf32, #tpu.memory_space<hbm>>
    tpu.wait_dma2 semaphore(%arg33 : memref<!tpu.dma_semaphore, #tpu.memory_space<semaphore_mem>>) src(%arg19 : memref<128x128xf32, #tpu.memory_space<vmem>>) dst(%dma_wait3A_327 : memref<128x128xf32, #tpu.memory_space<hbm>>)
    %dma_start3A_328 = arith.constant 11 : i32
    %dma_start3A_329 = arith.constant 0 : i32
    %dma_start3A_330 = arith.constant 0 : i32
    %dma_start3A_331 = tpu.memref_slice %arg19[%dma_start3A_329, %dma_start3A_330] : memref<128x128xf32, #tpu.memory_space<vmem>> -> memref<128x128xf32, #tpu.memory_space<vmem>>
    %dma_start3A_332 = arith.constant 0 : i32
    %dma_start3A_333 = tpu.memref_slice %arg11[%dma_start3A_328, %dma_start3A_332] : memref<12x128xi32, #tpu.memory_space<vmem>> -> memref<1x128xi32, #tpu.memory_space<vmem>>
    %dma_start3A_334 = tpu.memref_squeeze %dma_start3A_333 : memref<1x128xi32, #tpu.memory_space<vmem>> -> memref<128xi32, #tpu.memory_space<vmem>>
    %dma_start3A_335 = arith.constant 0 : i32
    %dma_start3A_336 = arith.constant 0 : i32
    %dma_start3A_337 = tpu.memref_slice %arg13[%dma_start3A_335, %dma_start3A_336] : memref<1000x128xf32, #tpu.memory_space<vmem_shared>> -> memref<1000x128xf32, #tpu.memory_space<vmem_shared>>
    tpu.enqueue_indirect_dma source(%dma_start3A_337 : memref<1000x128xf32, #tpu.memory_space<vmem_shared>>) target(%dma_start3A_331 : memref<128x128xf32, #tpu.memory_space<vmem>>) offsets(%dma_start3A_334 : memref<128xi32, #tpu.memory_space<vmem>>) semaphore(%arg27 : memref<!tpu.dma_semaphore, #tpu.memory_space<semaphore_mem>>)
    %dma_wait3A_338 = arith.constant 6 : i32
    %dma_wait3A_339 = arith.constant 0 : i32
    %dma_wait3A_340 = arith.constant 0 : i32
    %dma_wait3A_341 = tpu.memref_slice %arg14[%dma_wait3A_339, %dma_wait3A_340] : memref<128x128xf32, #tpu.memory_space<vmem>> -> memref<128x128xf32, #tpu.memory_space<vmem>>
    %dma_wait3A_342 = arith.constant 0 : i32
    %dma_wait3A_343 = tpu.memref_slice %arg11[%dma_wait3A_338, %dma_wait3A_342] : memref<12x128xi32, #tpu.memory_space<vmem>> -> memref<1x128xi32, #tpu.memory_space<vmem>>
    %dma_wait3A_344 = tpu.memref_squeeze %dma_wait3A_343 : memref<1x128xi32, #tpu.memory_space<vmem>> -> memref<128xi32, #tpu.memory_space<vmem>>
    %dma_wait3A_345 = arith.constant 0 : i32
    %dma_wait3A_346 = arith.constant 0 : i32
    %dma_wait3A_347 = tpu.memref_slice %arg3[%dma_wait3A_345, %dma_wait3A_346] : memref<100000x128xf32, #tpu.memory_space<hbm>> -> memref<100000x128xf32, #tpu.memory_space<hbm>>
    tpu.wait_indirect_dma semaphore(%arg22 : memref<!tpu.dma_semaphore, #tpu.memory_space<semaphore_mem>>) src(%dma_wait3A_347 : memref<100000x128xf32, #tpu.memory_space<hbm>>) dst(%dma_wait3A_341 : memref<128x128xf32, #tpu.memory_space<vmem>>)
    %dma_start3A_348 = arith.constant 0 : i32
    %dma_start3A_349 = tpu.memref_slice %arg9[%add3A_16, %dma_start3A_348] : memref<16384x128xf32, #tpu.memory_space<hbm>> -> memref<128x128xf32, #tpu.memory_space<hbm>>
    %dma_start3A_350 = arith.constant 0 : i32
    %dma_start3A_351 = tpu.memref_slice %arg9[%add3A_16, %dma_start3A_350] : memref<16384x128xf32, #tpu.memory_space<hbm>> -> memref<128x128xf32, #tpu.memory_space<hbm>>
    tpu.enqueue_dma source(%arg14 : memref<128x128xf32, #tpu.memory_space<vmem>>) target(%dma_start3A_351 : memref<128x128xf32, #tpu.memory_space<hbm>>) target_semaphore(%arg28 : memref<!tpu.dma_semaphore, #tpu.memory_space<semaphore_mem>>)
    %dma_wait3A_352 = arith.constant 7 : i32
    %dma_wait3A_353 = arith.constant 0 : i32
    %dma_wait3A_354 = arith.constant 0 : i32
    %dma_wait3A_355 = tpu.memref_slice %arg15[%dma_wait3A_353, %dma_wait3A_354] : memref<128x128xf32, #tpu.memory_space<vmem>> -> memref<128x128xf32, #tpu.memory_space<vmem>>
    %dma_wait3A_356 = arith.constant 0 : i32
    %dma_wait3A_357 = tpu.memref_slice %arg11[%dma_wait3A_352, %dma_wait3A_356] : memref<12x128xi32, #tpu.memory_space<vmem>> -> memref<1x128xi32, #tpu.memory_space<vmem>>
    %dma_wait3A_358 = tpu.memref_squeeze %dma_wait3A_357 : memref<1x128xi32, #tpu.memory_space<vmem>> -> memref<128xi32, #tpu.memory_space<vmem>>
    %dma_wait3A_359 = arith.constant 0 : i32
    %dma_wait3A_360 = arith.constant 0 : i32
    %dma_wait3A_361 = tpu.memref_slice %arg3[%dma_wait3A_359, %dma_wait3A_360] : memref<100000x128xf32, #tpu.memory_space<hbm>> -> memref<100000x128xf32, #tpu.memory_space<hbm>>
    tpu.wait_indirect_dma semaphore(%arg23 : memref<!tpu.dma_semaphore, #tpu.memory_space<semaphore_mem>>) src(%dma_wait3A_361 : memref<100000x128xf32, #tpu.memory_space<hbm>>) dst(%dma_wait3A_355 : memref<128x128xf32, #tpu.memory_space<vmem>>)
    %dma_start3A_362 = arith.constant 0 : i32
    %dma_start3A_363 = tpu.memref_slice %arg9[%add3A_18, %dma_start3A_362] : memref<16384x128xf32, #tpu.memory_space<hbm>> -> memref<128x128xf32, #tpu.memory_space<hbm>>
    %dma_start3A_364 = arith.constant 0 : i32
    %dma_start3A_365 = tpu.memref_slice %arg9[%add3A_18, %dma_start3A_364] : memref<16384x128xf32, #tpu.memory_space<hbm>> -> memref<128x128xf32, #tpu.memory_space<hbm>>
    tpu.enqueue_dma source(%arg15 : memref<128x128xf32, #tpu.memory_space<vmem>>) target(%dma_start3A_365 : memref<128x128xf32, #tpu.memory_space<hbm>>) target_semaphore(%arg29 : memref<!tpu.dma_semaphore, #tpu.memory_space<semaphore_mem>>)
    %dma_wait3A_366 = arith.constant 8 : i32
    %dma_wait3A_367 = arith.constant 0 : i32
    %dma_wait3A_368 = arith.constant 0 : i32
    %dma_wait3A_369 = tpu.memref_slice %arg16[%dma_wait3A_367, %dma_wait3A_368] : memref<128x128xf32, #tpu.memory_space<vmem>> -> memref<128x128xf32, #tpu.memory_space<vmem>>
    %dma_wait3A_370 = arith.constant 0 : i32
    %dma_wait3A_371 = tpu.memref_slice %arg11[%dma_wait3A_366, %dma_wait3A_370] : memref<12x128xi32, #tpu.memory_space<vmem>> -> memref<1x128xi32, #tpu.memory_space<vmem>>
    %dma_wait3A_372 = tpu.memref_squeeze %dma_wait3A_371 : memref<1x128xi32, #tpu.memory_space<vmem>> -> memref<128xi32, #tpu.memory_space<vmem>>
    %dma_wait3A_373 = arith.constant 0 : i32
    %dma_wait3A_374 = arith.constant 0 : i32
    %dma_wait3A_375 = tpu.memref_slice %arg13[%dma_wait3A_373, %dma_wait3A_374] : memref<1000x128xf32, #tpu.memory_space<vmem_shared>> -> memref<1000x128xf32, #tpu.memory_space<vmem_shared>>
    tpu.wait_indirect_dma semaphore(%arg24 : memref<!tpu.dma_semaphore, #tpu.memory_space<semaphore_mem>>) src(%dma_wait3A_375 : memref<1000x128xf32, #tpu.memory_space<vmem_shared>>) dst(%dma_wait3A_369 : memref<128x128xf32, #tpu.memory_space<vmem>>)
    %dma_start3A_376 = arith.constant 0 : i32
    %dma_start3A_377 = tpu.memref_slice %arg10[%add3A_20, %dma_start3A_376] : memref<16384x128xf32, #tpu.memory_space<hbm>> -> memref<128x128xf32, #tpu.memory_space<hbm>>
    %dma_start3A_378 = arith.constant 0 : i32
    %dma_start3A_379 = tpu.memref_slice %arg10[%add3A_20, %dma_start3A_378] : memref<16384x128xf32, #tpu.memory_space<hbm>> -> memref<128x128xf32, #tpu.memory_space<hbm>>
    tpu.enqueue_dma source(%arg16 : memref<128x128xf32, #tpu.memory_space<vmem>>) target(%dma_start3A_379 : memref<128x128xf32, #tpu.memory_space<hbm>>) target_semaphore(%arg30 : memref<!tpu.dma_semaphore, #tpu.memory_space<semaphore_mem>>)
    %dma_wait3A_380 = arith.constant 9 : i32
    %dma_wait3A_381 = arith.constant 0 : i32
    %dma_wait3A_382 = arith.constant 0 : i32
    %dma_wait3A_383 = tpu.memref_slice %arg17[%dma_wait3A_381, %dma_wait3A_382] : memref<128x128xf32, #tpu.memory_space<vmem>> -> memref<128x128xf32, #tpu.memory_space<vmem>>
    %dma_wait3A_384 = arith.constant 0 : i32
    %dma_wait3A_385 = tpu.memref_slice %arg11[%dma_wait3A_380, %dma_wait3A_384] : memref<12x128xi32, #tpu.memory_space<vmem>> -> memref<1x128xi32, #tpu.memory_space<vmem>>
    %dma_wait3A_386 = tpu.memref_squeeze %dma_wait3A_385 : memref<1x128xi32, #tpu.memory_space<vmem>> -> memref<128xi32, #tpu.memory_space<vmem>>
    %dma_wait3A_387 = arith.constant 0 : i32
    %dma_wait3A_388 = arith.constant 0 : i32
    %dma_wait3A_389 = tpu.memref_slice %arg13[%dma_wait3A_387, %dma_wait3A_388] : memref<1000x128xf32, #tpu.memory_space<vmem_shared>> -> memref<1000x128xf32, #tpu.memory_space<vmem_shared>>
    tpu.wait_indirect_dma semaphore(%arg25 : memref<!tpu.dma_semaphore, #tpu.memory_space<semaphore_mem>>) src(%dma_wait3A_389 : memref<1000x128xf32, #tpu.memory_space<vmem_shared>>) dst(%dma_wait3A_383 : memref<128x128xf32, #tpu.memory_space<vmem>>)
    %dma_start3A_390 = arith.constant 0 : i32
    %dma_start3A_391 = tpu.memref_slice %arg10[%add3A_22, %dma_start3A_390] : memref<16384x128xf32, #tpu.memory_space<hbm>> -> memref<128x128xf32, #tpu.memory_space<hbm>>
    %dma_start3A_392 = arith.constant 0 : i32
    %dma_start3A_393 = tpu.memref_slice %arg10[%add3A_22, %dma_start3A_392] : memref<16384x128xf32, #tpu.memory_space<hbm>> -> memref<128x128xf32, #tpu.memory_space<hbm>>
    tpu.enqueue_dma source(%arg17 : memref<128x128xf32, #tpu.memory_space<vmem>>) target(%dma_start3A_393 : memref<128x128xf32, #tpu.memory_space<hbm>>) target_semaphore(%arg31 : memref<!tpu.dma_semaphore, #tpu.memory_space<semaphore_mem>>)
    %dma_wait3A_394 = arith.constant 10 : i32
    %dma_wait3A_395 = arith.constant 0 : i32
    %dma_wait3A_396 = arith.constant 0 : i32
    %dma_wait3A_397 = tpu.memref_slice %arg18[%dma_wait3A_395, %dma_wait3A_396] : memref<128x128xf32, #tpu.memory_space<vmem>> -> memref<128x128xf32, #tpu.memory_space<vmem>>
    %dma_wait3A_398 = arith.constant 0 : i32
    %dma_wait3A_399 = tpu.memref_slice %arg11[%dma_wait3A_394, %dma_wait3A_398] : memref<12x128xi32, #tpu.memory_space<vmem>> -> memref<1x128xi32, #tpu.memory_space<vmem>>
    %dma_wait3A_400 = tpu.memref_squeeze %dma_wait3A_399 : memref<1x128xi32, #tpu.memory_space<vmem>> -> memref<128xi32, #tpu.memory_space<vmem>>
    %dma_wait3A_401 = arith.constant 0 : i32
    %dma_wait3A_402 = arith.constant 0 : i32
    %dma_wait3A_403 = tpu.memref_slice %arg13[%dma_wait3A_401, %dma_wait3A_402] : memref<1000x128xf32, #tpu.memory_space<vmem_shared>> -> memref<1000x128xf32, #tpu.memory_space<vmem_shared>>
    tpu.wait_indirect_dma semaphore(%arg26 : memref<!tpu.dma_semaphore, #tpu.memory_space<semaphore_mem>>) src(%dma_wait3A_403 : memref<1000x128xf32, #tpu.memory_space<vmem_shared>>) dst(%dma_wait3A_397 : memref<128x128xf32, #tpu.memory_space<vmem>>)
    %dma_start3A_404 = arith.constant 0 : i32
    %dma_start3A_405 = tpu.memref_slice %arg10[%add3A_24, %dma_start3A_404] : memref<16384x128xf32, #tpu.memory_space<hbm>> -> memref<128x128xf32, #tpu.memory_space<hbm>>
    %dma_start3A_406 = arith.constant 0 : i32
    %dma_start3A_407 = tpu.memref_slice %arg10[%add3A_24, %dma_start3A_406] : memref<16384x128xf32, #tpu.memory_space<hbm>> -> memref<128x128xf32, #tpu.memory_space<hbm>>
    tpu.enqueue_dma source(%arg18 : memref<128x128xf32, #tpu.memory_space<vmem>>) target(%dma_start3A_407 : memref<128x128xf32, #tpu.memory_space<hbm>>) target_semaphore(%arg32 : memref<!tpu.dma_semaphore, #tpu.memory_space<semaphore_mem>>)
    %dma_wait3A_408 = arith.constant 11 : i32
    %dma_wait3A_409 = arith.constant 0 : i32
    %dma_wait3A_410 = arith.constant 0 : i32
    %dma_wait3A_411 = tpu.memref_slice %arg19[%dma_wait3A_409, %dma_wait3A_410] : memref<128x128xf32, #tpu.memory_space<vmem>> -> memref<128x128xf32, #tpu.memory_space<vmem>>
    %dma_wait3A_412 = arith.constant 0 : i32
    %dma_wait3A_413 = tpu.memref_slice %arg11[%dma_wait3A_408, %dma_wait3A_412] : memref<12x128xi32, #tpu.memory_space<vmem>> -> memref<1x128xi32, #tpu.memory_space<vmem>>
    %dma_wait3A_414 = tpu.memref_squeeze %dma_wait3A_413 : memref<1x128xi32, #tpu.memory_space<vmem>> -> memref<128xi32, #tpu.memory_space<vmem>>
    %dma_wait3A_415 = arith.constant 0 : i32
    %dma_wait3A_416 = arith.constant 0 : i32
    %dma_wait3A_417 = tpu.memref_slice %arg13[%dma_wait3A_415, %dma_wait3A_416] : memref<1000x128xf32, #tpu.memory_space<vmem_shared>> -> memref<1000x128xf32, #tpu.memory_space<vmem_shared>>
    tpu.wait_indirect_dma semaphore(%arg27 : memref<!tpu.dma_semaphore, #tpu.memory_space<semaphore_mem>>) src(%dma_wait3A_417 : memref<1000x128xf32, #tpu.memory_space<vmem_shared>>) dst(%dma_wait3A_411 : memref<128x128xf32, #tpu.memory_space<vmem>>)
    %dma_start3A_418 = arith.constant 0 : i32
    %dma_start3A_419 = tpu.memref_slice %arg10[%add3A_26, %dma_start3A_418] : memref<16384x128xf32, #tpu.memory_space<hbm>> -> memref<128x128xf32, #tpu.memory_space<hbm>>
    %dma_start3A_420 = arith.constant 0 : i32
    %dma_start3A_421 = tpu.memref_slice %arg10[%add3A_26, %dma_start3A_420] : memref<16384x128xf32, #tpu.memory_space<hbm>> -> memref<128x128xf32, #tpu.memory_space<hbm>>
    tpu.enqueue_dma source(%arg19 : memref<128x128xf32, #tpu.memory_space<vmem>>) target(%dma_start3A_421 : memref<128x128xf32, #tpu.memory_space<hbm>>) target_semaphore(%arg33 : memref<!tpu.dma_semaphore, #tpu.memory_space<semaphore_mem>>)
    %dma_wait3A_422 = arith.constant 0 : i32
    %dma_wait3A_423 = tpu.memref_slice %arg9[%add3A_16, %dma_wait3A_422] : memref<16384x128xf32, #tpu.memory_space<hbm>> -> memref<128x128xf32, #tpu.memory_space<hbm>>
    %dma_wait3A_424 = arith.constant 0 : i32
    %dma_wait3A_425 = tpu.memref_slice %arg9[%add3A_16, %dma_wait3A_424] : memref<16384x128xf32, #tpu.memory_space<hbm>> -> memref<128x128xf32, #tpu.memory_space<hbm>>
    tpu.wait_dma2 semaphore(%arg28 : memref<!tpu.dma_semaphore, #tpu.memory_space<semaphore_mem>>) src(%arg14 : memref<128x128xf32, #tpu.memory_space<vmem>>) dst(%dma_wait3A_425 : memref<128x128xf32, #tpu.memory_space<hbm>>)
    %dma_wait3A_426 = arith.constant 0 : i32
    %dma_wait3A_427 = tpu.memref_slice %arg9[%add3A_18, %dma_wait3A_426] : memref<16384x128xf32, #tpu.memory_space<hbm>> -> memref<128x128xf32, #tpu.memory_space<hbm>>
    %dma_wait3A_428 = arith.constant 0 : i32
    %dma_wait3A_429 = tpu.memref_slice %arg9[%add3A_18, %dma_wait3A_428] : memref<16384x128xf32, #tpu.memory_space<hbm>> -> memref<128x128xf32, #tpu.memory_space<hbm>>
    tpu.wait_dma2 semaphore(%arg29 : memref<!tpu.dma_semaphore, #tpu.memory_space<semaphore_mem>>) src(%arg15 : memref<128x128xf32, #tpu.memory_space<vmem>>) dst(%dma_wait3A_429 : memref<128x128xf32, #tpu.memory_space<hbm>>)
    %dma_wait3A_430 = arith.constant 0 : i32
    %dma_wait3A_431 = tpu.memref_slice %arg10[%add3A_20, %dma_wait3A_430] : memref<16384x128xf32, #tpu.memory_space<hbm>> -> memref<128x128xf32, #tpu.memory_space<hbm>>
    %dma_wait3A_432 = arith.constant 0 : i32
    %dma_wait3A_433 = tpu.memref_slice %arg10[%add3A_20, %dma_wait3A_432] : memref<16384x128xf32, #tpu.memory_space<hbm>> -> memref<128x128xf32, #tpu.memory_space<hbm>>
    tpu.wait_dma2 semaphore(%arg30 : memref<!tpu.dma_semaphore, #tpu.memory_space<semaphore_mem>>) src(%arg16 : memref<128x128xf32, #tpu.memory_space<vmem>>) dst(%dma_wait3A_433 : memref<128x128xf32, #tpu.memory_space<hbm>>)
    %dma_wait3A_434 = arith.constant 0 : i32
    %dma_wait3A_435 = tpu.memref_slice %arg10[%add3A_22, %dma_wait3A_434] : memref<16384x128xf32, #tpu.memory_space<hbm>> -> memref<128x128xf32, #tpu.memory_space<hbm>>
    %dma_wait3A_436 = arith.constant 0 : i32
    %dma_wait3A_437 = tpu.memref_slice %arg10[%add3A_22, %dma_wait3A_436] : memref<16384x128xf32, #tpu.memory_space<hbm>> -> memref<128x128xf32, #tpu.memory_space<hbm>>
    tpu.wait_dma2 semaphore(%arg31 : memref<!tpu.dma_semaphore, #tpu.memory_space<semaphore_mem>>) src(%arg17 : memref<128x128xf32, #tpu.memory_space<vmem>>) dst(%dma_wait3A_437 : memref<128x128xf32, #tpu.memory_space<hbm>>)
    %dma_wait3A_438 = arith.constant 0 : i32
    %dma_wait3A_439 = tpu.memref_slice %arg10[%add3A_24, %dma_wait3A_438] : memref<16384x128xf32, #tpu.memory_space<hbm>> -> memref<128x128xf32, #tpu.memory_space<hbm>>
    %dma_wait3A_440 = arith.constant 0 : i32
    %dma_wait3A_441 = tpu.memref_slice %arg10[%add3A_24, %dma_wait3A_440] : memref<16384x128xf32, #tpu.memory_space<hbm>> -> memref<128x128xf32, #tpu.memory_space<hbm>>
    tpu.wait_dma2 semaphore(%arg32 : memref<!tpu.dma_semaphore, #tpu.memory_space<semaphore_mem>>) src(%arg18 : memref<128x128xf32, #tpu.memory_space<vmem>>) dst(%dma_wait3A_441 : memref<128x128xf32, #tpu.memory_space<hbm>>)
    %dma_wait3A_442 = arith.constant 0 : i32
    %dma_wait3A_443 = tpu.memref_slice %arg10[%add3A_26, %dma_wait3A_442] : memref<16384x128xf32, #tpu.memory_space<hbm>> -> memref<128x128xf32, #tpu.memory_space<hbm>>
    %dma_wait3A_444 = arith.constant 0 : i32
    %dma_wait3A_445 = tpu.memref_slice %arg10[%add3A_26, %dma_wait3A_444] : memref<16384x128xf32, #tpu.memory_space<hbm>> -> memref<128x128xf32, #tpu.memory_space<hbm>>
    tpu.wait_dma2 semaphore(%arg33 : memref<!tpu.dma_semaphore, #tpu.memory_space<semaphore_mem>>) src(%arg19 : memref<128x128xf32, #tpu.memory_space<vmem>>) dst(%dma_wait3A_445 : memref<128x128xf32, #tpu.memory_space<hbm>>)
    return
  }
}

</mosaic_0001>

<sc_bundles>
// kernel: _gather3.3.cloned.1.call-start
scs
__scs_entry_jumppad:
0x0: {  	(pc) =	sbr.rel $0x88, $3  }
0x1: {  	(tag) =	ssettag $0x0;
	lr =	simm.s32 $0x1  }
0x2: {  	[smem:$0x3F9B] =	sst lr;
	_ =	strace $0xD0000000  }
0x3: {  	_ = 	snop  }
0x4: {  	_ = 	snop  }
0x5: {  	_ = 	snop  }
0x6: {  	_ = 	snop  }
0x7: {  	_ = 	snop  }
__scs_overlays_trampoline_lowered:
0x8: {  	[smem:$0x3FAA] =	sst s0  }
0x9: {  	[smem:$0x3FAB] =	sst s1  }
0xa: {  	[smem:$0x3FAC] =	sst s2  }
0xb: {  	[smem:$0x3FAD] =	sst s3  }
0xc: {  	[smem:$0x3FAE] =	sst s4  }
0xd: {  	[smem:$0x3FAF] =	sst s5  }
0xe: {  	[smem:$0x3FB0] =	sst s6  }
0xf: {  	[smem:$0x3FB1] =	sst s7  }
0x10: {  	[smem:$0x3FB2] =	sst s8  }
0x11: {  	[smem:$0x3FB3] =	sst s9;
	s0 =	simm.s32 @!p0 $0x0  }
0x12: {  	s1 =	sld [smem:$0x3F99];
	s0 =	simm.s32 @p0 $0x1  }
0x13: {  	[smem:$0x3FB4] =	sst s0;
	s0 =	simm.s32 @!p1 $0x0  }
0x14: {  	s2 =	sld [smem:$0x3F98];
	s0 =	simm.s32 @p1 $0x1  }
0x15: {  	[smem:$0x3FB5] =	sst s0;
	s0 =	simm.s32 @!p2 $0x0  }
0x16: {  	s3 =	sld [smem:$0x3FDB];
	s0 =	simm.s32 @p2 $0x1  }
0x17: {  	s4 =	simm.s32 $0x1BF5;
	[smem:$0x3FB7] =	sst s0  }
0x18: {  	s0 =	sld [smem:$0x3F9A];
	_ =	swait.ge [sflag:s4], $0x0  }
0x19: {  	s7 =	sld [smem:$0x3F9B]  }
0x1a: {  	s8 =	sadd.s32 $0xFFFFE003, lr  }
0x1b: {  	s9 =	sadd.s32 $0xFFFFFEF7, lr;
	s5 =	simm.s32 $0xFFFFFFFF;
	p2 =	slt.u32 s8, $0xFFFFF086  }
0x1c: {  	p1 =	slt.u32 s9, $0xF7A;
	s5 =	simm.s32 @!p2 $0x0  }
0x1d: {  	s5 =	simm.s32 @p1 $0x1;
	p0 =	seq.s32 s7, s2  }
0x1e: {  	s7 =	smul.u32 @!p0 $0xF7A, s2;
	p2 =	seq.s32 @!p0 s5, $0x0  }
0x1f: {  	s9 =	smul.u32 $0xF7A, s1;
	s8 =	simm.s32 @!p0 $0x1BF5;
	p2 =	por !p2, p0  }
0x20: {  	[sflag:s8] =	ssyncset.s32 @!p0 $0xFFFFF086;
	s6 =	sadd.s32 @!p0 s3, s7;
	s7 =	simm.s32 @!p0 $0x108  }
0x21: {  	s3 =	sadd.s32 s3, s9;
	s6 =	sadd.s32 @!p0 $0x88, s6;
	s7 =	simm.s32 @p2 $0x1082  }
0x22: {  	[simem:s7], [sflag:s8] =	dma.local @!p0 [hbm:s6], $0xF7A  }
0x23: {  	s9 =	sor.u32 $0xD0000000, s2;
	s6 =	simm.s32 $0x108;
	_ =	swait.ge @!p0 [sflag:s8], $0x0  }
0x24: {  	s3 =	sadd.s32 $0x88, s3;
	s6 =	simm.s32 @!p1 $0x1082;
	[sflag:s4] =	ssyncset.s32 $0xFFFFF086  }
0x25: {  	[simem:s6], [sflag:s4] =	dma.local [hbm:s3], $0xF7A  }
0x26: {  	[smem:$0x3F9B] =	sst s1;
	(tag) =	ssettag s2;
	_ =	strace s9  }
0x27: {  	s1 =	sld [smem:$0x3FAB]  }
0x28: {  	s2 =	sld [smem:$0x3FAC]  }
0x29: {  	s4 =	sld [smem:$0x3FAE]  }
0x2a: {  	p0 =	seq.s32 s5, $0x0;
	s5 =	sld [smem:$0x3FAF]  }
0x2b: {  	s6 =	sld [smem:$0x3FB0]  }
0x2c: {  	s7 =	sld [smem:$0x3FB1]  }
0x2d: {  	s3 =	simm.s32 $0x108;
	s8 =	sld [smem:$0x3FB2]  }
0x2e: {  	s3 =	simm.s32 @!p0 $0x1082;
	s9 =	sld [smem:$0x3FB3]  }
0x2f: {  	lr =	sadd.s32 s0, s3;
	s0 =	sld [smem:$0x3FAA]  }
0x30: {  	s3 =	sld [smem:$0x3FAD]  }
0x31: {  	[smem:$0x3FB6] =	sst s10  }
0x32: {  	s10 =	sld [smem:$0x3FB4];
	_ =	sdelay $0x3  }
0x33: {  	p0 =	seq.s32 s10, $0x1;
	s10 =	sld [smem:$0x3FB6];
	_ =	sdelay $0x3  }
0x34: {  	[smem:$0x3FB6] =	sst s10  }
0x35: {  	s10 =	sld [smem:$0x3FB5];
	_ =	sdelay $0x3  }
0x36: {  	p1 =	seq.s32 s10, $0x1;
	s10 =	sld [smem:$0x3FB6];
	_ =	sdelay $0x3  }
0x37: {  	[smem:$0x3FB6] =	sst s10  }
0x38: {  	s10 =	sld [smem:$0x3FB7]  }
0x39: {  	_ = 	snop;
	(pc) =	sbr.ind lr, $3  }
0x3a: {  	_ = 	snop  }
0x3b: {  	_ = 	snop  }
0x3c: {  	p2 =	seq.s32 s10, $0x1;
	s10 =	sld [smem:$0x3FB6]  }
0x3d: {  	_ =	shalt  }
0x3e: {  	_ =	shalt  }
0x3f: {  	_ =	shalt  }
0x40: {  	_ =	shalt  }
0x41: {  	_ =	shalt  }
0x42: {  	_ =	shalt  }
0x43: {  	_ =	shalt  }
0x44: {  	_ =	shalt  }
0x45: {  	_ =	shalt  }
0x46: {  	_ =	shalt  }
0x47: {  	_ =	shalt  }
0x48: {  	_ =	shalt  }
0x49: {  	_ =	shalt  }
0x4a: {  	_ =	shalt  }
0x4b: {  	_ =	shalt  }
0x4c: {  	_ =	shalt  }
0x4d: {  	_ =	shalt  }
0x4e: {  	_ =	shalt  }
0x4f: {  	_ =	shalt  }
0x50: {  	_ =	shalt  }
0x51: {  	_ =	shalt  }
0x52: {  	_ =	shalt  }
0x53: {  	_ =	shalt  }
0x54: {  	_ =	shalt  }
0x55: {  	_ =	shalt  }
0x56: {  	_ =	shalt  }
0x57: {  	_ =	shalt  }
0x58: {  	_ =	shalt  }
0x59: {  	_ =	shalt  }
0x5a: {  	_ =	shalt  }
0x5b: {  	_ =	shalt  }
0x5c: {  	_ =	shalt  }
0x5d: {  	_ =	shalt  }
0x5e: {  	_ =	shalt  }
0x5f: {  	_ =	shalt  }
0x60: {  	_ =	shalt  }
0x61: {  	_ =	shalt  }
0x62: {  	_ =	shalt  }
0x63: {  	_ =	shalt  }
0x64: {  	_ =	shalt  }
0x65: {  	_ =	shalt  }
0x66: {  	_ =	shalt  }
0x67: {  	_ =	shalt  }
0x68: {  	_ =	shalt  }
0x69: {  	_ =	shalt  }
0x6a: {  	_ =	shalt  }
0x6b: {  	_ =	shalt  }
0x6c: {  	_ =	shalt  }
0x6d: {  	_ =	shalt  }
0x6e: {  	_ =	shalt  }
0x6f: {  	_ =	shalt  }
0x70: {  	_ =	shalt  }
0x71: {  	_ =	shalt  }
0x72: {  	_ =	shalt  }
0x73: {  	_ =	shalt  }
0x74: {  	_ =	shalt  }
0x75: {  	_ =	shalt  }
0x76: {  	_ =	shalt  }
0x77: {  	_ =	shalt  }
0x78: {  	_ =	shalt  }
0x79: {  	_ =	shalt  }
0x7a: {  	_ =	shalt  }
0x7b: {  	_ =	shalt  }
0x7c: {  	_ =	shalt  }
0x7d: {  	_ =	shalt  }
0x7e: {  	_ =	shalt  }
0x7f: {  	_ =	shalt  }
0x80: {  	_ =	shalt  }
0x81: {  	_ =	shalt  }
0x82: {  	_ =	shalt  }
0x83: {  	_ =	shalt  }
0x84: {  	_ =	shalt  }
0x85: {  	_ =	shalt  }
0x86: {  	_ =	shalt  }
0x87: {  	_ =	shalt  }
.Lfunc_end0:
.L_simem_size_0:
called_computation_lowered:
.L_overlay_start_0:
0x88: {  	s2 =	sld [smem:$0x3FD9]  }
0x89: {  	s3 =	sld [smem:$0x3FFE];
	_ =	sdelay $0x1  }
0x8a: {  	s1 =	srdreg.scid  }
0x8b: {  	s0 =	sand.u32 $0x1, s1  }
0x8c: {  	s15 =	sshll.u32 s0, $0xA;
	s2 =	sadd.s32 s3, s2  }
0x8d: {  	s2 =	sadd.s32 s2, s15  }
0x8e: {  	[smem:$0x3FC2] =	sst s2  }
0x8f: {  	_ = 	snop  }
0x90: {  	s2 =	sld [smem:$0x3FC9]  }
0x91: {  	s16 =	sld [smem:$0x3FC8]  }
0x92: {  	s4 =	sld [smem:$0x3FC7]  }
0x93: {  	s5 =	sld [smem:$0x3FD0]  }
0x94: {  	s6 =	sld [smem:$0x3FC6]  }
0x95: {  	s7 =	sld [smem:$0x3FC5]  }
0x96: {  	s9 =	simm.s32 $0xA;
	s10 =	simm.s32 $0x10;
	s8 =	sld [smem:$0x3FC4]  }
0x97: {  	[smem:s10], [sflag:s9] =	dma.local [hbm:s5], $0x1  }
0x98: {  	_ =	swait.eq [sflag:s9], $0x1  }
0x99: {  	s17 =	sld [smem:$0x10];
	[sflag:s9] =	ssyncset.done $0x0  }
0x9a: {  	s18 =	sld [smem:$0x11];
	[sflag:s9] =	ssyncadd.s32 $0xFFFFFFFF  }
0x9b: {  	s19 =	sld [smem:$0x12];
	(tm) =	ssettm $0x1  }
0x9c: {  	s11 =	sld [smem:$0x3FFB];
	_ =	sdelay $0x3  }
0x9d: {  	_ =	strace s11  }
0x9e: {  	s11 =	sld [smem:$0x3FFC];
	_ =	sdelay $0x3  }
0x9f: {  	_ =	strace s11  }
0xa0: {  	s11 =	sld [smem:$0x3FFD];
	_ =	sdelay $0x3  }
0xa1: {  	_ =	strace s11  }
0xa2: {  	_ =	strace $0x8FFFFFFF  }
0xa3: {  	s20 =	sld [smem:$0x3FDB];
	_ =	sdelay $0x1  }
0xa4: {  	s12 =	simm.s32 $_scs_section_size  }
0xa5: {  	s13 =	simm.s32 $_size__tile_overlayer_lowered;
	s14 =	simm.s32 $_tile_overlayer_lowered  }
0xa6: {  	s23 =	simm.s32 $0x1BFF;
	s22 =	sshll.u32 s14, $0x1;
	s11 =	sadd.s32 s12, s20  }
0xa7: {  	s21 =	sshll.u32 s13, $0x1;
	s15 =	simm.s32 $0x0;
	s13 =	sadd.s32 s22, s11  }
0xa8: {  	[timem:s15], [sflag:s23] =	dma.local [hbm:s13], s21  }
0xa9: {  	_ =	swait.ge [sflag:s23], s21  }
0xaa: {  	s12 =	ssub.s32 $0x0, s21;
	[sflag:s23] =	ssyncset.done $0x0  }
0xab: {  	[sflag:s23] =	ssyncadd.s32 s12;
	_ =	sdelay $0x1  }
0xac: {  	s24 =	simm.s32 $0x1B8B  }
0xad: {  	_ =	swait.ge [sflag:s24], $0x1  }
0xae: {  	[sflag:s24] =	ssyncset.done $0x0  }
0xaf: {  	s25 =	simm.s32 $0x1B8E;
	[sflag:s24] =	ssyncadd.s32 $0xFFFFFFFF  }
0xb0: {  	s26 =	simm.s32 $execute0_lowered;
	[smem:$0x3FD2] =	sst s25  }
0xb1: {  	s12 =	sshll.u32 s26, $0x1;
	_ =	strace $0x80000046;
	[dreg:$0x1] =	wrdreg $0xFFFFFFFF  }
0xb2: {  	s28 =	simm.s32 $_size_execute0_lowered;
	s11 =	sadd.s32 s11, s12;
	[dreg:$0x0] =	wrdreg $0x0  }
0xb3: {  	s12 =	sshll.u32 s28, $0x1;
	[dreg:$0x2] =	wrdreg s11  }
0xb4: {  	[dreg:$0x3] =	wrdreg s12  }
0xb5: {  	[dreg:$0x4] =	wrdreg $0xC0  }
0xb6: {  	_ =	task [dreg:s15], $0x5FFFF  }
0xb7: {  	[dreg:$0x1] =	wrdreg $0xFFFFFFFF  }
0xb8: {  	[dreg:$0x0] =	wrdreg $0x60  }
0xb9: {  	[dreg:$0x2] =	wrdreg s2  }
0xba: {  	[dreg:$0x3] =	wrdreg s16  }
0xbb: {  	[dreg:$0x4] =	wrdreg s4  }
0xbc: {  	[dreg:$0x5] =	wrdreg s6  }
0xbd: {  	[dreg:$0x6] =	wrdreg s7  }
0xbe: {  	[dreg:$0x7] =	wrdreg s8  }
0xbf: {  	[dreg:$0x8] =	wrdreg s17  }
0xc0: {  	[dreg:$0x9] =	wrdreg s18  }
0xc1: {  	[dreg:$0xa] =	wrdreg s19  }
0xc2: {  	[dreg:$0xb] =	wrdreg $0x28000  }
0xc3: {  	[dreg:$0xc] =	wrdreg $0x9  }
0xc4: {  	_ =	task.clear_ibuf [dreg:s15], $0xDFFFF;
	_ =	strace $0x90000046  }
0xc5: {  	s29 =	simm.s32 $0x9;
	_ =	strace $0x80000048  }
0xc6: {  	_ =	swait.ge [sflag:s29], $0x1  }
0xc7: {  	[sflag:s29] =	ssyncadd.s32 $0xFFFFFFFF  }
0xc8: {  	_ =	strace $0x90000048  }
0xc9: {  	_ =	sfence  }
0xca: {  	s30 =	sld [smem:$0x0];
	_ =	sdelay $0x2  }
0xcb: {  	s31 =	sshll.u32 s1, $0xD;
	s1 =	sshrl.u32 s1, $0x2  }
0xcc: {  	s3 =	sand.u32 $0x4000, s31;
	s1 =	sadd.s32 s1, s30  }
0xcd: {  	s0 =	sor.u32 s3, s0;
	s1 =	sshll.u32 s1, $0x11  }
0xce: {  	s0 =	sor.u32 s1, s0  }
0xcf: {  	s0 =	sadd.s32 $0x8F2B, s0  }
0xd0: {  	[sflag:s0] =	ssyncadd.remote.s32 $0x1  }
0xd1: {  	_ =	sfence.sel $0xFFFF  }
0xd2: {  	[dreg:$0x0] =	wrdreg $0xFFFFFFFF;
	(pc) =	sbr.abs _section_cstart, $3  }
0xd3: {  	[dreg:$0x1] =	wrdreg $0xFFFFFFFF  }
0xd4: {  	_ =	task.clear_ibuf [dreg:s15], $0x2FFFF;
	_ =	strace $0x9FFFFFFF  }
0xd5: {  	(tm) =	ssettm $0x7FFFFFFF  }
tec
execute0_lowered:
.L_overlay_start_1:
0x0: {  	(tag) =	ssettag $0x1  }
0x1: {  	s19 =	rddreg [dreg:$0x0]  }
0x2: {  	s4 =	rddreg [dreg:$0x1]  }
0x3: {  	s0 =	rddreg [dreg:$0x2]  }
0x4: {  	s1 =	rddreg [dreg:$0x3]  }
0x5: {  	s5 =	rddreg [dreg:$0x4]  }
0x6: {  	s6 =	rddreg [dreg:$0x5]  }
0x7: {  	s7 =	rddreg [dreg:$0x6]  }
0x8: {  	s8 =	rddreg [dreg:$0x7]  }
0x9: {  	s9 =	rddreg [dreg:$0x8]  }
0xa: {  	s3 =	rddreg [dreg:$0x9]  }
0xb: {  	s26 =	rddreg [dreg:$0xa];
	s15 =	stileid.u32  }
0xc: {  	s2 =	simm.s32 $0x0;
	s10 =	srdreg.scid;
	s28 =	simm.s32 $0x800  }
0xd: {  	s29 =	simm.s32 $0x200;
	s31 =	simm.s32 $0x1;
	s11 =	sshll.u32 s15, $0x6  }
0xe: {  	[smem:$0x7FF] =	sst s2;
	s10 =	sand.u32 $0x1, s10;
	s11 =	smin.u32 s11, $0x3A8  }
0xf: {  	s13 =	sshll.u32 s15, $0x7;
	s14 =	sshll.u32 s10, $0x6;
	s12 =	sshll.u32 s11, $0x4  }
0x10: {  	s22 =	sshll.u32 s15, $0xE;
	s16 =	sor.u32 s14, s13;
	s0 =	sadd.s32 s0, s12  }
0x11: {  	_ =	strace $0x80000047;
	s17 =	sadd.s32 s1, s16;
	[dreg:$0xb] =	wrdreg s0  }
0x12: {  	s23 =	sshll.u32 s10, $0xD;
	s18 =	sadd.s32 s6, s16;
	[dreg:$0xc] =	wrdreg s17  }
0x13: {  	s21 =	sshll.u32 s11, $0x7;
	s20 =	sadd.s32 s5, s16;
	[dreg:$0xd] =	wrdreg s18  }
0x14: {  	s25 =	sor.u32 s23, s22;
	s24 =	sadd.s32 s21, s3;
	[dreg:$0xe] =	wrdreg s20  }
0x15: {  	s30 =	simm.s32 $0x2;
	s11 =	sadd.s32 s7, s25;
	[dreg:$0xf] =	wrdreg s24  }
0x16: {  	p0 =	por $0x0, $0x0;
	s16 =	sadd.s32 s8, s25;
	[dreg:$0x10] =	wrdreg s11  }
0x17: {  	s5 =	sor.u32 $0x800, s25;
	s21 =	sadd.s32 s9, s25;
	[dreg:$0x14] =	wrdreg s16  }
0x18: {  	s6 =	sor.u32 $0x1000, s25;
	s12 =	sadd.s32 s7, s5;
	[dreg:$0x18] =	wrdreg s21  }
0x19: {  	s14 =	sor.u32 $0x1800, s25;
	s13 =	sadd.s32 s7, s6;
	[dreg:$0x11] =	wrdreg s12  }
0x1a: {  	s22 =	ssub.s32 $0x2, s10;
	s15 =	sadd.s32 s7, s14;
	[dreg:$0x12] =	wrdreg s13  }
0x1b: {  	s10 =	simm.s32 $0xC740;
	s17 =	sadd.s32 s8, s5;
	[dreg:$0x13] =	wrdreg s15  }
0x1c: {  	s18 =	sadd.s32 s8, s6;
	s20 =	sadd.s32 s8, s14;
	[dreg:$0x15] =	wrdreg s17  }
0x1d: {  	s23 =	sadd.s32 s9, s5;
	s24 =	sshrl.u32 s22, $0x1;
	[dreg:$0x16] =	wrdreg s18  }
0x1e: {  	s25 =	sadd.s32 s9, s6;
	s6 =	sadd.s32 s9, s14;
	[dreg:$0x17] =	wrdreg s20  }
0x1f: {  	s21 =	simm.s32 $0x80;
	s16 =	simm.s32 $0x4740;
	[dreg:$0x19] =	wrdreg s23  }
0x20: {  	s8 =	simm.s32 $0x100;
	s9 =	simm.s32 $0x180;
	[dreg:$0x1a] =	wrdreg s25  }
0x21: {  	s11 =	simm.s32 $0x280;
	s5 =	simm.s32 $0x18740;
	[dreg:$0x1b] =	wrdreg s6  }
0x22: {  	s14 =	simm.s32 $0x380;
	s1 =	ssub.s32 s22, s24;
	[dreg:$0x1c] =	wrdreg s8  }
0x23: {  	s25 =	simm.s32 $0x400;
	s12 =	simm.s32 $0x8740;
	[dreg:$0x1d] =	wrdreg s9  }
0x24: {  	s8 =	simm.s32 $0x10740;
	s6 =	simm.s32 $0x14740;
	[dreg:$0x1e] =	wrdreg s11  }
0x25: {  	s24 =	simm.s32 $0x3;
	s23 =	simm.s32 $0x4;
	s22 =	simm.s32 $0x5  }
0x26: {  	s13 =	simm.s32 $0x300;
	s20 =	simm.s32 $0x6;
	s7 =	smax.u32 s1, $0x1  }
0x27: {  	s18 =	simm.s32 $0x7;
	[smem:$0x7FB] =	sst s14;
	p1 =	sne.s32 s7, $0x1  }
.Ltmp0:
0x28: {  	s15 =	simm.s32 $0x480;
	[dreg:$0x1f] =	wrdreg s13;
	(pc) =	sbr.rel @!p1 .LBB2_5-.Ltmp0, $4  }
0x29: {  	s14 =	simm.s32 $0x8;
	s17 =	simm.s32 $0x500;
	[smem:$0x7FC] =	sst s15  }
0x2a: {  	s11 =	simm.s32 $0xC;
	s9 =	simm.s32 $0xD;
	[smem:$0x7FD] =	sst s17  }
0x2b: {  	s15 =	simm.s32 $0x9;
	s17 =	simm.s32 $0xA;
	s13 =	simm.s32 $0xB  }
0x2c: {  	s1 =	rddreg [dreg:$0xb];
	s0 =	sadd.s32 $0xFFFFFFFF, s7;
	s7 =	simm.s32 $0xE  }
0x2d: {  	[tilespmem:s28], [sflag:$0x2] =	stream.linear.gather [hbm4b:s1+s2], $0x2000, $0x38;
	[tilespmem:$0x1C740] =	vst v63  }
0x2e: {  	s26 =	smov.u32 s0;
	s0 =	rddreg [dreg:$0xc]  }
0x2f: {  	[tilespmem:s2], [sflag:$0x1] =	stream.linear.gather [hbm4b:s0+s2], $0x200, $0x38;
	[tilespmem:$0x1C740] =	vst v63  }
0x30: {  	s1 =	rddreg [dreg:$0xd]  }
0x31: {  	[tilespmem:s29], [sflag:$0x1] =	stream.linear.gather [hbm4b:s1+s2], $0x200, $0x38;
	[tilespmem:$0x1C740] =	vst v63  }
0x32: {  	s0 =	rddreg [dreg:$0xe]  }
0x33: {  	[tilespmem:s25], [sflag:$0x1] =	stream.linear.gather [hbm4b:s0+s2], $0x200, $0x38;
	[tilespmem:$0x1C740] =	vst v63  }
0x34: {  	_ =	swait.ge [sflag:s31], $0x200  }
0x35: {  	[sflag:s31] =	ssyncset.done $0x0  }
0x36: {  	[sflag:s31] =	ssyncadd.s32 $0xFFFFFE00  }
0x37: {  	_ =	swait.ge [sflag:s31], $0x200  }
0x38: {  	[sflag:s31] =	ssyncset.done $0x0  }
0x39: {  	[sflag:s31] =	ssyncadd.s32 $0xFFFFFE00  }
0x3a: {  	_ =	swait.ge [sflag:s31], $0x200  }
0x3b: {  	[sflag:s31] =	ssyncset.done $0x0  }
0x3c: {  	[sflag:s31] =	ssyncadd.s32 $0xFFFFFE00  }
0x3d: {  	[tilespmem:s16], [sflag:$0x3] =	stream.indirect.gather [hbm4b:s19+s21], $0x80, s2, s21, $0xb8;
	[tilespmem:$0x1C740] =	vst v63  }
0x3e: {  	_ = 	snop  }
0x3f: {  	[tilespmem:s12], [sflag:$0x4] =	stream.indirect.gather [hbm4b:s19+s21], $0x80, s21, s21, $0xb8;
	[tilespmem:$0x1C740] =	vst v63  }
0x40: {  	s0 =	rddreg [dreg:$0x1c]  }
0x41: {  	[tilespmem:s10], [sflag:$0x5] =	stream.indirect.gather [hbm4b:s19+s21], $0x80, s0, s21, $0xb8;
	[tilespmem:$0x1C740] =	vst v63  }
0x42: {  	s1 =	rddreg [dreg:$0x1d]  }
0x43: {  	[tilespmem:s8], [sflag:$0x6] =	stream.indirect.gather [hbm4b:s19+s21], $0x80, s1, s21, $0xb8;
	[tilespmem:$0x1C740] =	vst v63  }
0x44: {  	_ = 	snop  }
0x45: {  	[tilespmem:s6], [sflag:$0x7] =	stream.indirect.gather [hbm4b:s4+s21], $0x80, s29, s21, $0xb8;
	[tilespmem:$0x1C740] =	vst v63  }
0x46: {  	s1 =	rddreg [dreg:$0x1e]  }
0x47: {  	[tilespmem:s5], [sflag:$0x8] =	stream.indirect.gather [hbm4b:s4+s21], $0x80, s1, s21, $0xb8;
	[tilespmem:$0x1C740] =	vst v63  }
0x48: {  	_ =	swait.ge [sflag:s30], $0x2000  }
0x49: {  	[sflag:s30] =	ssyncset.done $0x0  }
0x4a: {  	s1 =	rddreg [dreg:$0xf];
	[sflag:s30] =	ssyncadd.s32 $0xFFFFE000  }
0x4b: {  	[spmem:s1] =	stream.linear.scatter [tilespmem:s28], [sflag:$0x2], $0x2000, $0x38;
	[tilespmem:$0x1C740] =	vst v63  }
0x4c: {  	_ =	swait.ge [sflag:s30], $0x2000  }
0x4d: {  	[sflag:s30] =	ssyncset.done $0x0  }
0x4e: {  	[sflag:s30] =	ssyncadd.s32 $0xFFFFE000  }
0x4f: {  	_ =	swait.ge [sflag:s24], $0x4000  }
0x50: {  	[sflag:s24] =	ssyncset.done $0x0  }
0x51: {  	s1 =	rddreg [dreg:$0x10];
	[sflag:s24] =	ssyncadd.s32 $0xFFFFC000  }
0x52: {  	[hbm4b:s1+s2] =	stream.linear.scatter [tilespmem:s16], [sflag:$0x9], $0x4000, $0x38;
	[tilespmem:$0x1C740] =	vst v63  }
0x53: {  	_ =	swait.ge [sflag:s23], $0x4000  }
0x54: {  	[sflag:s23] =	ssyncset.done $0x0  }
0x55: {  	s1 =	rddreg [dreg:$0x11];
	[sflag:s23] =	ssyncadd.s32 $0xFFFFC000  }
0x56: {  	[hbm4b:s1+s2] =	stream.linear.scatter [tilespmem:s12], [sflag:$0xA], $0x4000, $0x38;
	[tilespmem:$0x1C740] =	vst v63  }
0x57: {  	_ =	swait.ge [sflag:s22], $0x4000  }
0x58: {  	[sflag:s22] =	ssyncset.done $0x0  }
0x59: {  	s1 =	rddreg [dreg:$0x12];
	[sflag:s22] =	ssyncadd.s32 $0xFFFFC000  }
0x5a: {  	[hbm4b:s1+s2] =	stream.linear.scatter [tilespmem:s10], [sflag:$0xB], $0x4000, $0x38;
	[tilespmem:$0x1C740] =	vst v63  }
0x5b: {  	_ =	swait.ge [sflag:s20], $0x4000  }
0x5c: {  	[sflag:s20] =	ssyncset.done $0x0  }
0x5d: {  	s1 =	rddreg [dreg:$0x13];
	[sflag:s20] =	ssyncadd.s32 $0xFFFFC000  }
0x5e: {  	[hbm4b:s1+s2] =	stream.linear.scatter [tilespmem:s8], [sflag:$0xC], $0x4000, $0x38;
	[tilespmem:$0x1C740] =	vst v63  }
0x5f: {  	_ =	swait.ge [sflag:s18], $0x4000  }
0x60: {  	[sflag:s18] =	ssyncset.done $0x0  }
0x61: {  	s1 =	rddreg [dreg:$0x14];
	[sflag:s18] =	ssyncadd.s32 $0xFFFFC000  }
0x62: {  	[hbm4b:s1+s2] =	stream.linear.scatter [tilespmem:s6], [sflag:$0xD], $0x4000, $0x38;
	[tilespmem:$0x1C740] =	vst v63  }
0x63: {  	_ =	swait.ge [sflag:s14], $0x4000  }
0x64: {  	[sflag:s14] =	ssyncset.done $0x0  }
0x65: {  	s1 =	rddreg [dreg:$0x15];
	[sflag:s14] =	ssyncadd.s32 $0xFFFFC000  }
0x66: {  	[hbm4b:s1+s2] =	stream.linear.scatter [tilespmem:s5], [sflag:$0xE], $0x4000, $0x38;
	[tilespmem:$0x1C740] =	vst v63  }
0x67: {  	_ =	swait.ge [sflag:s15], $0x4000  }
0x68: {  	[sflag:s15] =	ssyncset.done $0x0  }
0x69: {  	s1 =	rddreg [dreg:$0x1f];
	[sflag:s15] =	ssyncadd.s32 $0xFFFFC000  }
0x6a: {  	[tilespmem:s16], [sflag:$0x3] =	stream.indirect.gather [hbm4b:s4+s21], $0x80, s1, s21, $0xb8;
	[tilespmem:$0x1C740] =	vst v63  }
0x6b: {  	_ =	swait.ge [sflag:s17], $0x4000  }
0x6c: {  	s1 =	sld [smem:$0x7FB]  }
0x6d: {  	[sflag:s17] =	ssyncset.done $0x0  }
0x6e: {  	[sflag:s17] =	ssyncadd.s32 $0xFFFFC000  }
0x6f: {  	[tilespmem:s12], [sflag:$0x4] =	stream.indirect.gather [hbm4b:s4+s21], $0x80, s1, s21, $0xb8;
	[tilespmem:$0x1C740] =	vst v63  }
0x70: {  	_ =	swait.ge [sflag:s13], $0x4000  }
0x71: {  	[sflag:s13] =	ssyncset.done $0x0  }
0x72: {  	[sflag:s13] =	ssyncadd.s32 $0xFFFFC000  }
0x73: {  	[bflag:$0x0] =	sbarrier.arrive $0xFFFF  }
0x74: {  	[tilespmem:s10], [sflag:$0x5] =	stream.indirect.gather [spmem:s3], $0x80, s25, s21, $0xb8;
	[tilespmem:$0x1C740] =	vst v63  }
0x75: {  	_ =	swait.ge [sflag:s11], $0x4000  }
0x76: {  	s1 =	sld [smem:$0x7FC]  }
0x77: {  	[sflag:s11] =	ssyncset.done $0x0  }
0x78: {  	[sflag:s11] =	ssyncadd.s32 $0xFFFFC000  }
0x79: {  	[tilespmem:s8], [sflag:$0x6] =	stream.indirect.gather [spmem:s3], $0x80, s1, s21, $0xb8;
	[tilespmem:$0x1C740] =	vst v63  }
0x7a: {  	_ =	swait.ge [sflag:s9], $0x4000  }
0x7b: {  	s1 =	sld [smem:$0x7FD]  }
0x7c: {  	[sflag:s9] =	ssyncset.done $0x0  }
0x7d: {  	[sflag:s9] =	ssyncadd.s32 $0xFFFFC000  }
0x7e: {  	[tilespmem:s6], [sflag:$0x7] =	stream.indirect.gather [spmem:s3], $0x80, s1, s21, $0xb8;
	[tilespmem:$0x1C740] =	vst v63  }
0x7f: {  	_ =	swait.ge [sflag:s7], $0x4000  }
0x80: {  	[sflag:s7] =	ssyncset.done $0x0  }
0x81: {  	s1 =	simm.s32 $0x580;
	[sflag:s7] =	ssyncadd.s32 $0xFFFFC000  }
0x82: {  	[tilespmem:s5], [sflag:$0x8] =	stream.indirect.gather [spmem:s3], $0x80, s1, s21, $0xb8;
	[tilespmem:$0x1C740] =	vst v63  }
0x83: {  	_ =	swait.ge [sflag:s24], $0x4000  }
0x84: {  	[sflag:s24] =	ssyncset.done $0x0  }
0x85: {  	s1 =	rddreg [dreg:$0x16];
	[sflag:s24] =	ssyncadd.s32 $0xFFFFC000  }
0x86: {  	[hbm4b:s1+s2] =	stream.linear.scatter [tilespmem:s16], [sflag:$0x9], $0x4000, $0x38;
	[tilespmem:$0x1C740] =	vst v63  }
0x87: {  	_ =	swait.ge [sflag:s23], $0x4000  }
0x88: {  	[sflag:s23] =	ssyncset.done $0x0  }
0x89: {  	s1 =	rddreg [dreg:$0x17];
	[sflag:s23] =	ssyncadd.s32 $0xFFFFC000  }
0x8a: {  	[hbm4b:s1+s2] =	stream.linear.scatter [tilespmem:s12], [sflag:$0xA], $0x4000, $0x38;
	[tilespmem:$0x1C740] =	vst v63  }
0x8b: {  	_ =	swait.ge [sflag:s22], $0x4000  }
0x8c: {  	[sflag:s22] =	ssyncset.done $0x0  }
0x8d: {  	s1 =	rddreg [dreg:$0x18];
	[sflag:s22] =	ssyncadd.s32 $0xFFFFC000  }
0x8e: {  	[hbm4b:s1+s2] =	stream.linear.scatter [tilespmem:s10], [sflag:$0xB], $0x4000, $0x38;
	[tilespmem:$0x1C740] =	vst v63  }
0x8f: {  	_ =	swait.ge [sflag:s20], $0x4000  }
0x90: {  	[sflag:s20] =	ssyncset.done $0x0  }
0x91: {  	s1 =	rddreg [dreg:$0x19];
	[sflag:s20] =	ssyncadd.s32 $0xFFFFC000  }
0x92: {  	[hbm4b:s1+s2] =	stream.linear.scatter [tilespmem:s8], [sflag:$0xC], $0x4000, $0x38;
	[tilespmem:$0x1C740] =	vst v63  }
0x93: {  	_ =	swait.ge [sflag:s18], $0x4000  }
0x94: {  	[sflag:s18] =	ssyncset.done $0x0  }
0x95: {  	s1 =	rddreg [dreg:$0x1a];
	[sflag:s18] =	ssyncadd.s32 $0xFFFFC000  }
0x96: {  	[hbm4b:s1+s2] =	stream.linear.scatter [tilespmem:s6], [sflag:$0xD], $0x4000, $0x38;
	[tilespmem:$0x1C740] =	vst v63  }
0x97: {  	_ =	swait.ge [sflag:s14], $0x4000  }
0x98: {  	[sflag:s14] =	ssyncset.done $0x0  }
0x99: {  	s1 =	rddreg [dreg:$0x1b];
	[sflag:s14] =	ssyncadd.s32 $0xFFFFC000  }
0x9a: {  	[hbm4b:s1+s2] =	stream.linear.scatter [tilespmem:s5], [sflag:$0xE], $0x4000, $0x38;
	[tilespmem:$0x1C740] =	vst v63  }
0x9b: {  	_ =	swait.ge [sflag:s15], $0x4000  }
0x9c: {  	[sflag:s15] =	ssyncset.done $0x0  }
0x9d: {  	[sflag:s15] =	ssyncadd.s32 $0xFFFFC000  }
0x9e: {  	_ =	swait.ge [sflag:s17], $0x4000  }
0x9f: {  	[sflag:s17] =	ssyncset.done $0x0  }
0xa0: {  	[sflag:s17] =	ssyncadd.s32 $0xFFFFC000  }
0xa1: {  	_ =	swait.ge [sflag:s13], $0x4000  }
0xa2: {  	[sflag:s13] =	ssyncset.done $0x0  }
0xa3: {  	[sflag:s13] =	ssyncadd.s32 $0xFFFFC000  }
0xa4: {  	_ =	swait.ge [sflag:s11], $0x4000  }
0xa5: {  	[sflag:s11] =	ssyncset.done $0x0  }
0xa6: {  	p1 =	sne.s32 s26, $0x1;
	[sflag:s11] =	ssyncadd.s32 $0xFFFFC000  }
.Ltmp1:
0xa7: {  	_ =	swait.ge [sflag:s9], $0x4000;
	(pc) =	sbr.rel @!p1 .LBB2_2-.Ltmp1, $4  }
0xa8: {  	[sflag:s9] =	ssyncset.done $0x0  }
0xa9: {  	[sflag:s9] =	ssyncadd.s32 $0xFFFFC000  }
0xaa: {  	p0 =	por $0x1, $0x1;
	_ =	swait.ge [sflag:s7], $0x4000  }
0xab: {  	s0 =	sadd.s32 $0xFFFFFFFF, s26;
	s1 =	rddreg [dreg:$0xb];
	[sflag:s7] =	ssyncset.done $0x0  }
.LBB2_3:
0xac: {  	[sflag:s7] =	ssyncadd.s32 $0xFFFFC000  }
0xad: {  	[tilespmem:s28], [sflag:$0x2] =	stream.linear.gather [hbm4b:s1+s2], $0x2000, $0x38;
	[tilespmem:$0x1C740] =	vst v63  }
0xae: {  	s26 =	rddreg [dreg:$0xc]  }
0xaf: {  	[tilespmem:s2], [sflag:$0x1] =	stream.linear.gather [hbm4b:s26+s2], $0x200, $0x38;
	[tilespmem:$0x1C740] =	vst v63  }
0xb0: {  	s1 =	rddreg [dreg:$0xd]  }
0xb1: {  	[tilespmem:s29], [sflag:$0x1] =	stream.linear.gather [hbm4b:s1+s2], $0x200, $0x38;
	[tilespmem:$0x1C740] =	vst v63  }
0xb2: {  	s26 =	rddreg [dreg:$0xe]  }
0xb3: {  	[tilespmem:s25], [sflag:$0x1] =	stream.linear.gather [hbm4b:s26+s2], $0x200, $0x38;
	[tilespmem:$0x1C740] =	vst v63  }
0xb4: {  	_ =	swait.ge [sflag:s31], $0x200  }
0xb5: {  	[sflag:s31] =	ssyncset.done $0x0  }
0xb6: {  	[sflag:s31] =	ssyncadd.s32 $0xFFFFFE00  }
0xb7: {  	_ =	swait.ge [sflag:s31], $0x200  }
0xb8: {  	[sflag:s31] =	ssyncset.done $0x0  }
0xb9: {  	[sflag:s31] =	ssyncadd.s32 $0xFFFFFE00  }
0xba: {  	_ =	swait.ge [sflag:s31], $0x200  }
0xbb: {  	[sflag:s31] =	ssyncset.done $0x0  }
0xbc: {  	[sflag:s31] =	ssyncadd.s32 $0xFFFFFE00  }
0xbd: {  	[tilespmem:s16], [sflag:$0x3] =	stream.indirect.gather [hbm4b:s19+s21], $0x80, s2, s21, $0xb8;
	[tilespmem:$0x1C740] =	vst v63  }
0xbe: {  	_ = 	snop  }
0xbf: {  	[tilespmem:s12], [sflag:$0x4] =	stream.indirect.gather [hbm4b:s19+s21], $0x80, s21, s21, $0xb8;
	[tilespmem:$0x1C740] =	vst v63  }
0xc0: {  	s1 =	rddreg [dreg:$0x1c]  }
0xc1: {  	[tilespmem:s10], [sflag:$0x5] =	stream.indirect.gather [hbm4b:s19+s21], $0x80, s1, s21, $0xb8;
	[tilespmem:$0x1C740] =	vst v63  }
0xc2: {  	s26 =	rddreg [dreg:$0x1d]  }
0xc3: {  	[tilespmem:s8], [sflag:$0x6] =	stream.indirect.gather [hbm4b:s19+s21], $0x80, s26, s21, $0xb8;
	[tilespmem:$0x1C740] =	vst v63  }
0xc4: {  	_ = 	snop  }
0xc5: {  	[tilespmem:s6], [sflag:$0x7] =	stream.indirect.gather [hbm4b:s4+s21], $0x80, s29, s21, $0xb8;
	[tilespmem:$0x1C740] =	vst v63  }
0xc6: {  	s26 =	rddreg [dreg:$0x1e]  }
0xc7: {  	[tilespmem:s5], [sflag:$0x8] =	stream.indirect.gather [hbm4b:s4+s21], $0x80, s26, s21, $0xb8;
	[tilespmem:$0x1C740] =	vst v63  }
0xc8: {  	_ =	swait.ge [sflag:s30], $0x2000  }
0xc9: {  	[sflag:s30] =	ssyncset.done $0x0  }
0xca: {  	s26 =	rddreg [dreg:$0xf];
	[sflag:s30] =	ssyncadd.s32 $0xFFFFE000  }
0xcb: {  	[spmem:s26] =	stream.linear.scatter [tilespmem:s28], [sflag:$0x2], $0x2000, $0x38;
	[tilespmem:$0x1C740] =	vst v63  }
0xcc: {  	_ =	swait.ge [sflag:s30], $0x2000  }
0xcd: {  	[sflag:s30] =	ssyncset.done $0x0  }
0xce: {  	[sflag:s30] =	ssyncadd.s32 $0xFFFFE000  }
0xcf: {  	_ =	swait.ge [sflag:s24], $0x4000  }
0xd0: {  	[sflag:s24] =	ssyncset.done $0x0  }
0xd1: {  	s26 =	rddreg [dreg:$0x10];
	[sflag:s24] =	ssyncadd.s32 $0xFFFFC000  }
0xd2: {  	[hbm4b:s26+s2] =	stream.linear.scatter [tilespmem:s16], [sflag:$0x9], $0x4000, $0x38;
	[tilespmem:$0x1C740] =	vst v63  }
0xd3: {  	_ =	swait.ge [sflag:s23], $0x4000  }
0xd4: {  	[sflag:s23] =	ssyncset.done $0x0  }
0xd5: {  	s26 =	rddreg [dreg:$0x11];
	[sflag:s23] =	ssyncadd.s32 $0xFFFFC000  }
0xd6: {  	[hbm4b:s26+s2] =	stream.linear.scatter [tilespmem:s12], [sflag:$0xA], $0x4000, $0x38;
	[tilespmem:$0x1C740] =	vst v63  }
0xd7: {  	_ =	swait.ge [sflag:s22], $0x4000  }
0xd8: {  	[sflag:s22] =	ssyncset.done $0x0  }
0xd9: {  	s26 =	rddreg [dreg:$0x12];
	[sflag:s22] =	ssyncadd.s32 $0xFFFFC000  }
0xda: {  	[hbm4b:s26+s2] =	stream.linear.scatter [tilespmem:s10], [sflag:$0xB], $0x4000, $0x38;
	[tilespmem:$0x1C740] =	vst v63  }
0xdb: {  	_ =	swait.ge [sflag:s20], $0x4000  }
0xdc: {  	[sflag:s20] =	ssyncset.done $0x0  }
0xdd: {  	s26 =	rddreg [dreg:$0x13];
	[sflag:s20] =	ssyncadd.s32 $0xFFFFC000  }
0xde: {  	[hbm4b:s26+s2] =	stream.linear.scatter [tilespmem:s8], [sflag:$0xC], $0x4000, $0x38;
	[tilespmem:$0x1C740] =	vst v63  }
0xdf: {  	_ =	swait.ge [sflag:s18], $0x4000  }
0xe0: {  	[sflag:s18] =	ssyncset.done $0x0  }
0xe1: {  	s26 =	rddreg [dreg:$0x14];
	[sflag:s18] =	ssyncadd.s32 $0xFFFFC000  }
0xe2: {  	[hbm4b:s26+s2] =	stream.linear.scatter [tilespmem:s6], [sflag:$0xD], $0x4000, $0x38;
	[tilespmem:$0x1C740] =	vst v63  }
0xe3: {  	_ =	swait.ge [sflag:s14], $0x4000  }
0xe4: {  	[sflag:s14] =	ssyncset.done $0x0  }
0xe5: {  	s26 =	rddreg [dreg:$0x15];
	[sflag:s14] =	ssyncadd.s32 $0xFFFFC000  }
0xe6: {  	[hbm4b:s26+s2] =	stream.linear.scatter [tilespmem:s5], [sflag:$0xE], $0x4000, $0x38;
	[tilespmem:$0x1C740] =	vst v63  }
0xe7: {  	_ =	swait.ge [sflag:s15], $0x4000  }
0xe8: {  	[sflag:s15] =	ssyncset.done $0x0  }
0xe9: {  	s26 =	rddreg [dreg:$0x1f];
	[sflag:s15] =	ssyncadd.s32 $0xFFFFC000  }
0xea: {  	[tilespmem:s16], [sflag:$0x3] =	stream.indirect.gather [hbm4b:s4+s21], $0x80, s26, s21, $0xb8;
	[tilespmem:$0x1C740] =	vst v63  }
0xeb: {  	_ =	swait.ge [sflag:s17], $0x4000  }
0xec: {  	s26 =	sld [smem:$0x7FB]  }
0xed: {  	[sflag:s17] =	ssyncset.done $0x0  }
0xee: {  	[sflag:s17] =	ssyncadd.s32 $0xFFFFC000  }
0xef: {  	[tilespmem:s12], [sflag:$0x4] =	stream.indirect.gather [hbm4b:s4+s21], $0x80, s26, s21, $0xb8;
	[tilespmem:$0x1C740] =	vst v63  }
0xf0: {  	_ =	swait.ge [sflag:s13], $0x4000  }
0xf1: {  	[sflag:s13] =	ssyncset.done $0x0  }
0xf2: {  	[sflag:s13] =	ssyncadd.s32 $0xFFFFC000  }
0xf3: {  	[bflag:$0x0] =	sbarrier.arrive $0xFFFF  }
0xf4: {  	[tilespmem:s10], [sflag:$0x5] =	stream.indirect.gather [spmem:s3], $0x80, s25, s21, $0xb8;
	[tilespmem:$0x1C740] =	vst v63  }
0xf5: {  	_ =	swait.ge [sflag:s11], $0x4000  }
0xf6: {  	s26 =	sld [smem:$0x7FC]  }
0xf7: {  	[sflag:s11] =	ssyncset.done $0x0  }
0xf8: {  	[sflag:s11] =	ssyncadd.s32 $0xFFFFC000  }
0xf9: {  	[tilespmem:s8], [sflag:$0x6] =	stream.indirect.gather [spmem:s3], $0x80, s26, s21, $0xb8;
	[tilespmem:$0x1C740] =	vst v63  }
0xfa: {  	_ =	swait.ge [sflag:s9], $0x4000  }
0xfb: {  	s26 =	sld [smem:$0x7FD]  }
0xfc: {  	[sflag:s9] =	ssyncset.done $0x0  }
0xfd: {  	[sflag:s9] =	ssyncadd.s32 $0xFFFFC000  }
0xfe: {  	[tilespmem:s6], [sflag:$0x7] =	stream.indirect.gather [spmem:s3], $0x80, s26, s21, $0xb8;
	[tilespmem:$0x1C740] =	vst v63  }
0xff: {  	_ =	swait.ge [sflag:s7], $0x4000  }
0x100: {  	[sflag:s7] =	ssyncset.done $0x0  }
0x101: {  	s26 =	simm.s32 $0x580;
	[sflag:s7] =	ssyncadd.s32 $0xFFFFC000  }
0x102: {  	[tilespmem:s5], [sflag:$0x8] =	stream.indirect.gather [spmem:s3], $0x80, s26, s21, $0xb8;
	[tilespmem:$0x1C740] =	vst v63  }
0x103: {  	_ =	swait.ge [sflag:s24], $0x4000  }
0x104: {  	[sflag:s24] =	ssyncset.done $0x0  }
0x105: {  	s26 =	rddreg [dreg:$0x16];
	[sflag:s24] =	ssyncadd.s32 $0xFFFFC000  }
0x106: {  	[hbm4b:s26+s2] =	stream.linear.scatter [tilespmem:s16], [sflag:$0x9], $0x4000, $0x38;
	[tilespmem:$0x1C740] =	vst v63  }
0x107: {  	_ =	swait.ge [sflag:s23], $0x4000  }
0x108: {  	[sflag:s23] =	ssyncset.done $0x0  }
0x109: {  	s26 =	rddreg [dreg:$0x17];
	[sflag:s23] =	ssyncadd.s32 $0xFFFFC000  }
0x10a: {  	[hbm4b:s26+s2] =	stream.linear.scatter [tilespmem:s12], [sflag:$0xA], $0x4000, $0x38;
	[tilespmem:$0x1C740] =	vst v63  }
0x10b: {  	_ =	swait.ge [sflag:s22], $0x4000  }
0x10c: {  	[sflag:s22] =	ssyncset.done $0x0  }
0x10d: {  	s26 =	rddreg [dreg:$0x18];
	[sflag:s22] =	ssyncadd.s32 $0xFFFFC000  }
0x10e: {  	[hbm4b:s26+s2] =	stream.linear.scatter [tilespmem:s10], [sflag:$0xB], $0x4000, $0x38;
	[tilespmem:$0x1C740] =	vst v63  }
0x10f: {  	_ =	swait.ge [sflag:s20], $0x4000  }
0x110: {  	[sflag:s20] =	ssyncset.done $0x0  }
0x111: {  	s26 =	rddreg [dreg:$0x19];
	[sflag:s20] =	ssyncadd.s32 $0xFFFFC000  }
0x112: {  	[hbm4b:s26+s2] =	stream.linear.scatter [tilespmem:s8], [sflag:$0xC], $0x4000, $0x38;
	[tilespmem:$0x1C740] =	vst v63  }
0x113: {  	_ =	swait.ge [sflag:s18], $0x4000  }
0x114: {  	[sflag:s18] =	ssyncset.done $0x0  }
0x115: {  	s26 =	rddreg [dreg:$0x1a];
	[sflag:s18] =	ssyncadd.s32 $0xFFFFC000  }
0x116: {  	[hbm4b:s26+s2] =	stream.linear.scatter [tilespmem:s6], [sflag:$0xD], $0x4000, $0x38;
	[tilespmem:$0x1C740] =	vst v63  }
0x117: {  	_ =	swait.ge [sflag:s14], $0x4000  }
0x118: {  	[sflag:s14] =	ssyncset.done $0x0  }
0x119: {  	s26 =	rddreg [dreg:$0x1b];
	[sflag:s14] =	ssyncadd.s32 $0xFFFFC000  }
0x11a: {  	[hbm4b:s26+s2] =	stream.linear.scatter [tilespmem:s5], [sflag:$0xE], $0x4000, $0x38;
	[tilespmem:$0x1C740] =	vst v63  }
0x11b: {  	_ =	swait.ge [sflag:s15], $0x4000  }
0x11c: {  	[sflag:s15] =	ssyncset.done $0x0  }
0x11d: {  	[sflag:s15] =	ssyncadd.s32 $0xFFFFC000  }
0x11e: {  	_ =	swait.ge [sflag:s17], $0x4000  }
0x11f: {  	[sflag:s17] =	ssyncset.done $0x0  }
0x120: {  	[sflag:s17] =	ssyncadd.s32 $0xFFFFC000  }
0x121: {  	_ =	swait.ge [sflag:s13], $0x4000  }
0x122: {  	[sflag:s13] =	ssyncset.done $0x0  }
0x123: {  	[sflag:s13] =	ssyncadd.s32 $0xFFFFC000  }
0x124: {  	_ =	swait.ge [sflag:s11], $0x4000  }
0x125: {  	[sflag:s11] =	ssyncset.done $0x0  }
0x126: {  	p1 =	sne.s32 s0, $0x1;
	[sflag:s11] =	ssyncadd.s32 $0xFFFFC000  }
.Ltmp2:
0x127: {  	_ =	swait.ge [sflag:s9], $0x4000;
	(pc) =	sbr.rel @p1 .LBB2_3-.Ltmp2, $4  }
0x128: {  	[sflag:s9] =	ssyncset.done $0x0  }
0x129: {  	[sflag:s9] =	ssyncadd.s32 $0xFFFFC000  }
0x12a: {  	_ =	swait.ge [sflag:s7], $0x4000  }
0x12b: {  	s0 =	sadd.s32 $0xFFFFFFFF, s0;
	s1 =	rddreg [dreg:$0xb];
	[sflag:s7] =	ssyncset.done $0x0  }
0x12c: {  	s26 =	rddreg [dreg:$0xa]  }
.LBB2_5:
0x12d: {  	[sflag:s7] =	ssyncadd.s32 @p0 $0xFFFFC000  }
0x12e: {  	[tilespmem:s28], [sflag:$0x2] =	stream.linear.gather [hbm4b:s1+s2], $0x2000, $0x38;
	[tilespmem:$0x1C740] =	vst v63  }
0x12f: {  	s0 =	rddreg [dreg:$0xc]  }
0x130: {  	[tilespmem:s2], [sflag:$0x1] =	stream.linear.gather [hbm4b:s0+s2], $0x200, $0x38;
	[tilespmem:$0x1C740] =	vst v63  }
0x131: {  	s1 =	rddreg [dreg:$0xd]  }
0x132: {  	[tilespmem:s29], [sflag:$0x1] =	stream.linear.gather [hbm4b:s1+s2], $0x200, $0x38;
	[tilespmem:$0x1C740] =	vst v63  }
0x133: {  	s0 =	rddreg [dreg:$0xe]  }
0x134: {  	[tilespmem:s25], [sflag:$0x1] =	stream.linear.gather [hbm4b:s0+s2], $0x200, $0x38;
	[tilespmem:$0x1C740] =	vst v63  }
0x135: {  	_ =	swait.ge [sflag:s31], $0x200  }
0x136: {  	[sflag:s31] =	ssyncset.done $0x0  }
0x137: {  	[sflag:s31] =	ssyncadd.s32 $0xFFFFFE00  }
0x138: {  	_ =	swait.ge [sflag:s31], $0x200  }
0x139: {  	[sflag:s31] =	ssyncset.done $0x0  }
0x13a: {  	[sflag:s31] =	ssyncadd.s32 $0xFFFFFE00  }
0x13b: {  	_ =	swait.ge [sflag:s31], $0x200  }
0x13c: {  	[sflag:s31] =	ssyncset.done $0x0  }
0x13d: {  	[sflag:s31] =	ssyncadd.s32 $0xFFFFFE00  }
0x13e: {  	[tilespmem:s16], [sflag:$0x3] =	stream.indirect.gather [hbm4b:s19+s21], $0x80, s2, s21, $0xb8;
	[tilespmem:$0x1C740] =	vst v63  }
0x13f: {  	_ = 	snop  }
0x140: {  	[tilespmem:s12], [sflag:$0x4] =	stream.indirect.gather [hbm4b:s19+s21], $0x80, s21, s21, $0xb8;
	[tilespmem:$0x1C740] =	vst v63  }
0x141: {  	s1 =	rddreg [dreg:$0x1c]  }
0x142: {  	[tilespmem:s10], [sflag:$0x5] =	stream.indirect.gather [hbm4b:s19+s21], $0x80, s1, s21, $0xb8;
	[tilespmem:$0x1C740] =	vst v63  }
0x143: {  	s31 =	rddreg [dreg:$0x1d]  }
0x144: {  	[tilespmem:s8], [sflag:$0x6] =	stream.indirect.gather [hbm4b:s19+s21], $0x80, s31, s21, $0xb8;
	[tilespmem:$0x1C740] =	vst v63  }
0x145: {  	_ = 	snop  }
0x146: {  	[tilespmem:s6], [sflag:$0x7] =	stream.indirect.gather [hbm4b:s4+s21], $0x80, s29, s21, $0xb8;
	[tilespmem:$0x1C740] =	vst v63  }
0x147: {  	s19 =	rddreg [dreg:$0x1e]  }
0x148: {  	[tilespmem:s5], [sflag:$0x8] =	stream.indirect.gather [hbm4b:s4+s21], $0x80, s19, s21, $0xb8;
	[tilespmem:$0x1C740] =	vst v63  }
0x149: {  	_ =	swait.ge [sflag:s30], $0x2000  }
0x14a: {  	[sflag:s30] =	ssyncset.done $0x0  }
0x14b: {  	s29 =	rddreg [dreg:$0xf];
	[sflag:s30] =	ssyncadd.s32 $0xFFFFE000  }
0x14c: {  	[spmem:s29] =	stream.linear.scatter [tilespmem:s28], [sflag:$0x2], $0x2000, $0x38;
	[tilespmem:$0x1C740] =	vst v63  }
0x14d: {  	_ =	swait.ge [sflag:s30], $0x2000  }
0x14e: {  	[sflag:s30] =	ssyncset.done $0x0  }
0x14f: {  	[sflag:s30] =	ssyncadd.s32 $0xFFFFE000  }
0x150: {  	_ =	swait.ge [sflag:s24], $0x4000  }
0x151: {  	[sflag:s24] =	ssyncset.done $0x0  }
0x152: {  	s30 =	rddreg [dreg:$0x10];
	[sflag:s24] =	ssyncadd.s32 $0xFFFFC000  }
0x153: {  	[hbm4b:s30+s2] =	stream.linear.scatter [tilespmem:s16], [sflag:$0x9], $0x4000, $0x38;
	[tilespmem:$0x1C740] =	vst v63  }
0x154: {  	_ =	swait.ge [sflag:s23], $0x4000  }
0x155: {  	[sflag:s23] =	ssyncset.done $0x0  }
0x156: {  	s31 =	rddreg [dreg:$0x11];
	[sflag:s23] =	ssyncadd.s32 $0xFFFFC000  }
0x157: {  	[hbm4b:s31+s2] =	stream.linear.scatter [tilespmem:s12], [sflag:$0xA], $0x4000, $0x38;
	[tilespmem:$0x1C740] =	vst v63  }
0x158: {  	_ =	swait.ge [sflag:s22], $0x4000  }
0x159: {  	[sflag:s22] =	ssyncset.done $0x0  }
0x15a: {  	s1 =	rddreg [dreg:$0x12];
	[sflag:s22] =	ssyncadd.s32 $0xFFFFC000  }
0x15b: {  	[hbm4b:s1+s2] =	stream.linear.scatter [tilespmem:s10], [sflag:$0xB], $0x4000, $0x38;
	[tilespmem:$0x1C740] =	vst v63  }
0x15c: {  	_ =	swait.ge [sflag:s20], $0x4000  }
0x15d: {  	[sflag:s20] =	ssyncset.done $0x0  }
0x15e: {  	s19 =	rddreg [dreg:$0x13];
	[sflag:s20] =	ssyncadd.s32 $0xFFFFC000  }
0x15f: {  	[hbm4b:s19+s2] =	stream.linear.scatter [tilespmem:s8], [sflag:$0xC], $0x4000, $0x38;
	[tilespmem:$0x1C740] =	vst v63  }
0x160: {  	_ =	swait.ge [sflag:s18], $0x4000  }
0x161: {  	[sflag:s18] =	ssyncset.done $0x0  }
0x162: {  	s28 =	rddreg [dreg:$0x14];
	[sflag:s18] =	ssyncadd.s32 $0xFFFFC000  }
0x163: {  	[hbm4b:s28+s2] =	stream.linear.scatter [tilespmem:s6], [sflag:$0xD], $0x4000, $0x38;
	[tilespmem:$0x1C740] =	vst v63  }
0x164: {  	_ =	swait.ge [sflag:s14], $0x4000  }
0x165: {  	[sflag:s14] =	ssyncset.done $0x0  }
0x166: {  	s29 =	rddreg [dreg:$0x15];
	[sflag:s14] =	ssyncadd.s32 $0xFFFFC000  }
0x167: {  	[hbm4b:s29+s2] =	stream.linear.scatter [tilespmem:s5], [sflag:$0xE], $0x4000, $0x38;
	[tilespmem:$0x1C740] =	vst v63  }
0x168: {  	_ =	swait.ge [sflag:s15], $0x4000  }
0x169: {  	[sflag:s15] =	ssyncset.done $0x0  }
0x16a: {  	s30 =	rddreg [dreg:$0x1f];
	[sflag:s15] =	ssyncadd.s32 $0xFFFFC000  }
0x16b: {  	[tilespmem:s16], [sflag:$0x3] =	stream.indirect.gather [hbm4b:s4+s21], $0x80, s30, s21, $0xb8;
	[tilespmem:$0x1C740] =	vst v63  }
0x16c: {  	_ =	swait.ge [sflag:s17], $0x4000  }
0x16d: {  	s31 =	sld [smem:$0x7FB]  }
0x16e: {  	[sflag:s17] =	ssyncset.done $0x0  }
0x16f: {  	[sflag:s17] =	ssyncadd.s32 $0xFFFFC000  }
0x170: {  	[tilespmem:s12], [sflag:$0x4] =	stream.indirect.gather [hbm4b:s4+s21], $0x80, s31, s21, $0xb8;
	[tilespmem:$0x1C740] =	vst v63  }
0x171: {  	_ =	swait.ge [sflag:s13], $0x4000  }
0x172: {  	[sflag:s13] =	ssyncset.done $0x0  }
0x173: {  	[sflag:s13] =	ssyncadd.s32 $0xFFFFC000  }
0x174: {  	[bflag:$0x0] =	sbarrier.arrive $0xFFFF  }
0x175: {  	[tilespmem:s10], [sflag:$0x5] =	stream.indirect.gather [spmem:s3], $0x80, s25, s21, $0xb8;
	[tilespmem:$0x1C740] =	vst v63  }
0x176: {  	_ =	swait.ge [sflag:s11], $0x4000  }
0x177: {  	s1 =	sld [smem:$0x7FC]  }
0x178: {  	[sflag:s11] =	ssyncset.done $0x0  }
0x179: {  	[sflag:s11] =	ssyncadd.s32 $0xFFFFC000  }
0x17a: {  	[tilespmem:s8], [sflag:$0x6] =	stream.indirect.gather [spmem:s3], $0x80, s1, s21, $0xb8;
	[tilespmem:$0x1C740] =	vst v63  }
0x17b: {  	_ =	swait.ge [sflag:s9], $0x4000  }
0x17c: {  	s4 =	sld [smem:$0x7FD]  }
0x17d: {  	[sflag:s9] =	ssyncset.done $0x0  }
0x17e: {  	[sflag:s9] =	ssyncadd.s32 $0xFFFFC000  }
0x17f: {  	[tilespmem:s6], [sflag:$0x7] =	stream.indirect.gather [spmem:s3], $0x80, s4, s21, $0xb8;
	[tilespmem:$0x1C740] =	vst v63  }
0x180: {  	_ =	swait.ge [sflag:s7], $0x4000  }
0x181: {  	[sflag:s7] =	ssyncset.done $0x0  }
0x182: {  	s19 =	simm.s32 $0x580;
	[sflag:s7] =	ssyncadd.s32 $0xFFFFC000  }
0x183: {  	[tilespmem:s5], [sflag:$0x8] =	stream.indirect.gather [spmem:s3], $0x80, s19, s21, $0xb8;
	[tilespmem:$0x1C740] =	vst v63  }
0x184: {  	_ =	swait.ge [sflag:s24], $0x4000  }
0x185: {  	[sflag:s24] =	ssyncset.done $0x0  }
0x186: {  	s21 =	rddreg [dreg:$0x16];
	[sflag:s24] =	ssyncadd.s32 $0xFFFFC000  }
0x187: {  	[hbm4b:s21+s2] =	stream.linear.scatter [tilespmem:s16], [sflag:$0x9], $0x4000, $0x38;
	[tilespmem:$0x1C740] =	vst v63  }
0x188: {  	_ =	swait.ge [sflag:s23], $0x4000  }
0x189: {  	[sflag:s23] =	ssyncset.done $0x0  }
0x18a: {  	s24 =	rddreg [dreg:$0x17];
	[sflag:s23] =	ssyncadd.s32 $0xFFFFC000  }
0x18b: {  	[hbm4b:s24+s2] =	stream.linear.scatter [tilespmem:s12], [sflag:$0xA], $0x4000, $0x38;
	[tilespmem:$0x1C740] =	vst v63  }
0x18c: {  	_ =	swait.ge [sflag:s22], $0x4000  }
0x18d: {  	[sflag:s22] =	ssyncset.done $0x0  }
0x18e: {  	s25 =	rddreg [dreg:$0x18];
	[sflag:s22] =	ssyncadd.s32 $0xFFFFC000  }
0x18f: {  	[hbm4b:s25+s2] =	stream.linear.scatter [tilespmem:s10], [sflag:$0xB], $0x4000, $0x38;
	[tilespmem:$0x1C740] =	vst v63  }
0x190: {  	_ =	swait.ge [sflag:s20], $0x4000  }
0x191: {  	[sflag:s20] =	ssyncset.done $0x0  }
0x192: {  	s28 =	rddreg [dreg:$0x19];
	[sflag:s20] =	ssyncadd.s32 $0xFFFFC000  }
0x193: {  	[hbm4b:s28+s2] =	stream.linear.scatter [tilespmem:s8], [sflag:$0xC], $0x4000, $0x38;
	[tilespmem:$0x1C740] =	vst v63  }
0x194: {  	_ =	swait.ge [sflag:s18], $0x4000  }
0x195: {  	[sflag:s18] =	ssyncset.done $0x0  }
0x196: {  	s29 =	rddreg [dreg:$0x1a];
	[sflag:s18] =	ssyncadd.s32 $0xFFFFC000  }
0x197: {  	[hbm4b:s29+s2] =	stream.linear.scatter [tilespmem:s6], [sflag:$0xD], $0x4000, $0x38;
	[tilespmem:$0x1C740] =	vst v63  }
0x198: {  	_ =	swait.ge [sflag:s14], $0x4000  }
0x199: {  	[sflag:s14] =	ssyncset.done $0x0  }
0x19a: {  	s30 =	rddreg [dreg:$0x1b];
	[sflag:s14] =	ssyncadd.s32 $0xFFFFC000  }
0x19b: {  	[hbm4b:s30+s2] =	stream.linear.scatter [tilespmem:s5], [sflag:$0xE], $0x4000, $0x38;
	[tilespmem:$0x1C740] =	vst v63  }
0x19c: {  	_ =	swait.ge [sflag:s15], $0x4000  }
0x19d: {  	[sflag:s15] =	ssyncset.done $0x0  }
0x19e: {  	[sflag:s15] =	ssyncadd.s32 $0xFFFFC000  }
0x19f: {  	_ =	swait.ge [sflag:s17], $0x4000  }
0x1a0: {  	[sflag:s17] =	ssyncset.done $0x0  }
0x1a1: {  	[sflag:s17] =	ssyncadd.s32 $0xFFFFC000  }
0x1a2: {  	_ =	swait.ge [sflag:s13], $0x4000  }
0x1a3: {  	[sflag:s13] =	ssyncset.done $0x0  }
0x1a4: {  	[sflag:s13] =	ssyncadd.s32 $0xFFFFC000  }
0x1a5: {  	_ =	swait.ge [sflag:s11], $0x4000  }
0x1a6: {  	[sflag:s11] =	ssyncset.done $0x0  }
0x1a7: {  	[sflag:s11] =	ssyncadd.s32 $0xFFFFC000  }
0x1a8: {  	_ =	swait.ge [sflag:s9], $0x4000  }
0x1a9: {  	[sflag:s9] =	ssyncset.done $0x0  }
0x1aa: {  	[sflag:s9] =	ssyncadd.s32 $0xFFFFC000  }
0x1ab: {  	_ =	swait.ge [sflag:s7], $0x4000  }
0x1ac: {  	[sflag:s7] =	ssyncset.done $0x0  }
0x1ad: {  	[sflag:s7] =	ssyncadd.s32 $0xFFFFC000  }
0x1ae: {  	_ =	sfence.sel $0x180000  }
0x1af: {  	s31 =	stileid.u32;
	[bflag:$0x0] =	sbarrier.arrive $0xFFFF  }
0x1b0: {  	p0 =	sne.s32 s31, $0x0;
	_ =	strace $0x90000047  }
0x1b1: {  	s0 =	sadd.s32 @!p0 $0x100000, s26;
	[bflag:$0x2] =	sbarrier.arrive $0xFFFF  }
0x1b2: {  	[sflag:s0] =	ssyncadd.tile.s32 @!p0 $0x1;
	_ =	shalt  }
.LBB2_2:
.Ltmp3:
0x1b3: {  	(pc) =	sbr.rel .LBB2_5-.Ltmp3, $2  }
0x1b4: {  	_ =	sdelay $0x2  }
0x1b5: {  	s26 =	rddreg [dreg:$0xa]  }
.Lfunc_end2:
_tile_overlayer_lowered:
.L_overlay_start_2:
0x1b6: {  	(tag) =	ssettag $0x2  }
0x1b7: {  	s0 =	rddreg [dreg:$0x0];
	s2 =	stileid.u32  }
0x1b8: {  	s1 =	rddreg [dreg:$0x1];
	p0 =	sne.s32 s2, $0x0  }
0x1b9: {  	s3 =	rddreg [dreg:$0x2];
	[bflag:$0x3] =	sbarrier.arrive $0xFFFF;
	s2 =	simm.s32 @!p0 $0x1C0F  }
0x1ba: {  	[timem:s3], [sflag:s2] =	dma.local @!p0 [hbm:s0], s1  }
0x1bb: {  	s0 =	simm.s32 @!p0 $0xF  }
0x1bc: {  	_ =	swait.ge @!p0 [sflag:s0], s1  }
0x1bd: {  	s1 =	ssub.s32 @!p0 $0x0, s1;
	[sflag:s0] =	ssyncset.done @!p0 $0x0  }
0x1be: {  	[sflag:s0] =	ssyncadd.s32 @!p0 s1  }
0x1bf: {  	[bflag:$0x3] =	sbarrier.arrive $0xFFFF  }
0x1c0: {  	_ =	shalt  }

</sc_bundles>
